<compile_context>
chip_gen: v7x
topology: tpu7x:2x2x1
jax: 0.10.2.dev20260603
libtpu: 0.0.44.dev20260713+nightly
codegen_flags: <defaults>
</compile_context>

<pallas_src>
import functools

import jax
import jax.numpy as jnp
from jax import lax
from jax.experimental import pallas as pl
from jax.experimental.pallas import tpu as pltpu
from jax.experimental.pallas import tpu_sc as plsc

B = 4096
F = 26
EMB = 4
VOCAB = 100000
NC = 2
NS = 16
NW = NC * NS
PB = B // NW
FB = F * PB
L = 16
GROUPS = PB // L
CH = 6272
VP = NS * CH


def _sc_body(idxt_hbm, tabt_hbm, out_hbm, rs_sh, cbuf_v, rs_v, idx_v,
             vals_v, out_v, sem, sem2):
    c = lax.axis_index("c")
    s = lax.axis_index("s")
    wid = s * NC + c

    idx_cp = pltpu.async_copy(
        idxt_hbm.at[pl.ds(wid * FB, FB)], idx_v, sem2
    )

    r0 = s * CH
    col_cps = [
        pltpu.async_copy(
            tabt_hbm.at[e, pl.ds(r0, CH)], cbuf_v.at[pl.ds(e * CH, CH)], sem
        )
        for e in range(EMB)
    ]
    for cp in col_cps:
        cp.wait()

    UNROLL = 8

    def rs_group(k, carry):
        for u in range(UNROLL):
            o = (k * UNROLL + u) * L
            acc = cbuf_v[pl.ds(o, L)]
            for e in range(1, EMB):
                acc = acc + cbuf_v[pl.ds(e * CH + o, L)]
            rs_v[pl.ds(o, L)] = acc
        return carry

    lax.fori_loop(0, CH // L // UNROLL, rs_group, 0)
    pltpu.sync_copy(rs_v, rs_sh.at[pl.ds(r0, CH)])
    plsc.subcore_barrier()

    idx_cp.wait()
    gat_cps = [
        pltpu.async_copy(
            rs_sh.at[idx_v.at[pl.ds(f * PB, PB)]],
            vals_v.at[pl.ds(f * PB, PB)],
            sem,
        )
        for f in range(F)
    ]
    for cp in gat_cps:
        cp.wait()

    def group(j, carry):
        b0 = j * L
        acc = vals_v[pl.ds(b0, L)]
        for f in range(1, F):
            acc = acc + vals_v[pl.ds(f * PB + b0, L)]
        out_v[pl.ds(b0, L)] = acc
        return carry

    lax.fori_loop(0, GROUPS, group, 0)
    pltpu.sync_copy(out_v, out_hbm.at[pl.ds(wid * PB, PB)])


@functools.partial(
    pl.kernel,
    out_type=jax.ShapeDtypeStruct((B,), jnp.float32),
    mesh=plsc.VectorSubcoreMesh(
        core_axis_name="c", subcore_axis_name="s", num_cores=NC, num_subcores=NS
    ),
    scratch_types=[
        pltpu.VMEM_SHARED((VP,), jnp.float32),
        pltpu.VMEM((EMB * CH,), jnp.float32),
        pltpu.VMEM((CH,), jnp.float32),
        pltpu.VMEM((FB,), jnp.int32),
        pltpu.VMEM((FB,), jnp.float32),
        pltpu.VMEM((PB,), jnp.float32),
        pltpu.SemaphoreType.DMA,
        pltpu.SemaphoreType.DMA,
    ],
    compiler_params=pltpu.CompilerParams(use_tc_tiling_on_sc=False),
)
def _sc_kernel(idxt_hbm, tabt_hbm, out_hbm, rs_sh, cbuf_v, rs_v, idx_v,
               vals_v, out_v, sem, sem2):
    _sc_body(idxt_hbm, tabt_hbm, out_hbm, rs_sh, cbuf_v, rs_v, idx_v,
             vals_v, out_v, sem, sem2)


def kernel(fids_batch, table):
    idxt = (
        fids_batch.astype(jnp.int32)
        .T.reshape(F, NW, PB)
        .transpose(1, 0, 2)
        .reshape(-1)
    )
    tabt = jnp.pad(table.T, ((0, 0), (0, VP - VOCAB)))
    return _sc_kernel(idxt, tabt)

# --- scband reference (transcript-rebuilt; emitter-appended) ---
"""Pipeline reference for scband-lrmodel-9079560863878 (READ-ONLY COPY).

The authoritative reference and input builder live on the scoring server;
editing this copy changes nothing except your own understanding.
"""

import jax, jax.numpy as jnp
import numpy as np

B = 4096
F = 26
VOCAB = 100000
EMB = 4

def setup_inputs(seed: int = 0) -> dict:
    key = jax.random.key(seed)
    k1, k2 = jax.random.split(key)
    fids_batch = jax.random.randint(k1, (B, F), 0, VOCAB, dtype=jnp.int64)
    table = jax.random.normal(k2, (VOCAB, EMB), dtype=jnp.float32) * 0.02
    return {"fids_batch": fids_batch, "table": table}

def reference(fids_batch, table):
    # For each sample: gather EMB-dim embedding per fid, concat -> [F*EMB],
    # stack over batch -> [B, F*EMB], then sum over dim 1 -> [B] (LR logit).
    emb = jnp.take(table, fids_batch, axis=0)          # [B, F, EMB]
    emb = emb.reshape(emb.shape[0], -1)                # [B, F*EMB] (torch.cat per sample + stack)
    output = jnp.sum(emb, axis=1)                      # [B]
    prediction = output
    return jnp.squeeze(prediction)

if __name__ == "__main__":
    import jax
    _d = setup_inputs()
    print(jax.jit(kernel)(*tuple(_d.values())))

</pallas_src>

<mosaic_0001>
#map = affine_map<(d0, d1) -> (0)>
#map1 = affine_map<(d0, d1) -> (0, 0)>
module attributes {stable_mosaic.version = 14 : i64} {
  func.func @_sc_kernel(%arg0: i32, %arg1: i32, %arg2: memref<106496xi32, #tpu.memory_space<hbm>>, %arg3: memref<4x100352xf32, #tpu.memory_space<hbm>>, %arg4: memref<4096xf32, #tpu.memory_space<hbm>>, %arg5: memref<100352xf32, #tpu.memory_space<vmem_shared>>, %arg6: memref<25088xf32, #tpu.memory_space<vmem>>, %arg7: memref<6272xf32, #tpu.memory_space<vmem>>, %arg8: memref<3328xi32, #tpu.memory_space<vmem>>, %arg9: memref<3328xf32, #tpu.memory_space<vmem>>, %arg10: memref<128xf32, #tpu.memory_space<vmem>>, %arg11: memref<!tpu.dma_semaphore, #tpu.memory_space<semaphore_mem>>, %arg12: memref<!tpu.dma_semaphore, #tpu.memory_space<semaphore_mem>>) attributes {dimension_semantics = [#tpu.dimension_semantics<core_parallel>, #tpu.dimension_semantics<subcore_parallel>], iteration_bounds = array<i64: 2, 16>, scalar_prefetch = 0 : i64, scratch_operands = 8 : i64, tpu.core_type = #tpu.core_type<sc_vector_subcore>, window_params = [{transform_indices = #map}, {transform_indices = #map1}, {transform_indices = #map}]} {
    %mul3A = arith.constant 2 : i32
    %mul3A_0 = arith.muli %arg1, %mul3A : i32
    %add3A = arith.addi %mul3A_0, %arg0 : i32
    %mul3A_1 = arith.constant 3328 : i32
    %mul3A_2 = arith.muli %add3A, %mul3A_1 : i32
    %dma_start3A = tpu.memref_slice %arg2[%mul3A_2] : memref<106496xi32, #tpu.memory_space<hbm>> -> memref<3328xi32, #tpu.memory_space<hbm>>
    %dma_start3A_3 = tpu.memref_slice %arg2[%mul3A_2] : memref<106496xi32, #tpu.memory_space<hbm>> -> memref<3328xi32, #tpu.memory_space<hbm>>
    tpu.enqueue_dma source(%dma_start3A_3 : memref<3328xi32, #tpu.memory_space<hbm>>) target(%arg8 : memref<3328xi32, #tpu.memory_space<vmem>>) target_semaphore(%arg12 : memref<!tpu.dma_semaphore, #tpu.memory_space<semaphore_mem>>)
    %mul3A_4 = arith.constant 6272 : i32
    %mul3A_5 = arith.muli %arg1, %mul3A_4 : i32
    %dma_start3A_6 = arith.constant 0 : i32
    %dma_start3A_7 = arith.constant 0 : i32
    %dma_start3A_8 = tpu.memref_slice %arg6[%dma_start3A_7] : memref<25088xf32, #tpu.memory_space<vmem>> -> memref<6272xf32, #tpu.memory_space<vmem>>
    %dma_start3A_9 = tpu.memref_slice %arg3[%dma_start3A_6, %mul3A_5] : memref<4x100352xf32, #tpu.memory_space<hbm>> -> memref<1x6272xf32, #tpu.memory_space<hbm>>
    %dma_start3A_10 = tpu.memref_squeeze %dma_start3A_9 : memref<1x6272xf32, #tpu.memory_space<hbm>> -> memref<6272xf32, #tpu.memory_space<hbm>>
    %dma_start3A_11 = arith.constant 0 : i32
    %dma_start3A_12 = tpu.memref_slice %arg6[%dma_start3A_11] : memref<25088xf32, #tpu.memory_space<vmem>> -> memref<6272xf32, #tpu.memory_space<vmem>>
    %dma_start3A_13 = tpu.memref_slice %arg3[%dma_start3A_6, %mul3A_5] : memref<4x100352xf32, #tpu.memory_space<hbm>> -> memref<1x6272xf32, #tpu.memory_space<hbm>>
    %dma_start3A_14 = tpu.memref_squeeze %dma_start3A_13 : memref<1x6272xf32, #tpu.memory_space<hbm>> -> memref<6272xf32, #tpu.memory_space<hbm>>
    tpu.enqueue_dma source(%dma_start3A_14 : memref<6272xf32, #tpu.memory_space<hbm>>) target(%dma_start3A_12 : memref<6272xf32, #tpu.memory_space<vmem>>) target_semaphore(%arg11 : memref<!tpu.dma_semaphore, #tpu.memory_space<semaphore_mem>>)
    %dma_start3A_15 = arith.constant 1 : i32
    %dma_start3A_16 = arith.constant 6272 : i32
    %dma_start3A_17 = tpu.memref_slice %arg6[%dma_start3A_16] : memref<25088xf32, #tpu.memory_space<vmem>> -> memref<6272xf32, #tpu.memory_space<vmem>>
    %dma_start3A_18 = tpu.memref_slice %arg3[%dma_start3A_15, %mul3A_5] : memref<4x100352xf32, #tpu.memory_space<hbm>> -> memref<1x6272xf32, #tpu.memory_space<hbm>>
    %dma_start3A_19 = tpu.memref_squeeze %dma_start3A_18 : memref<1x6272xf32, #tpu.memory_space<hbm>> -> memref<6272xf32, #tpu.memory_space<hbm>>
    %dma_start3A_20 = arith.constant 6272 : i32
    %dma_start3A_21 = tpu.memref_slice %arg6[%dma_start3A_20] : memref<25088xf32, #tpu.memory_space<vmem>> -> memref<6272xf32, #tpu.memory_space<vmem>>
    %dma_start3A_22 = tpu.memref_slice %arg3[%dma_start3A_15, %mul3A_5] : memref<4x100352xf32, #tpu.memory_space<hbm>> -> memref<1x6272xf32, #tpu.memory_space<hbm>>
    %dma_start3A_23 = tpu.memref_squeeze %dma_start3A_22 : memref<1x6272xf32, #tpu.memory_space<hbm>> -> memref<6272xf32, #tpu.memory_space<hbm>>
    tpu.enqueue_dma source(%dma_start3A_23 : memref<6272xf32, #tpu.memory_space<hbm>>) target(%dma_start3A_21 : memref<6272xf32, #tpu.memory_space<vmem>>) target_semaphore(%arg11 : memref<!tpu.dma_semaphore, #tpu.memory_space<semaphore_mem>>)
    %dma_start3A_24 = arith.constant 2 : i32
    %dma_start3A_25 = arith.constant 12544 : i32
    %dma_start3A_26 = tpu.memref_slice %arg6[%dma_start3A_25] : memref<25088xf32, #tpu.memory_space<vmem>> -> memref<6272xf32, #tpu.memory_space<vmem>>
    %dma_start3A_27 = tpu.memref_slice %arg3[%dma_start3A_24, %mul3A_5] : memref<4x100352xf32, #tpu.memory_space<hbm>> -> memref<1x6272xf32, #tpu.memory_space<hbm>>
    %dma_start3A_28 = tpu.memref_squeeze %dma_start3A_27 : memref<1x6272xf32, #tpu.memory_space<hbm>> -> memref<6272xf32, #tpu.memory_space<hbm>>
    %dma_start3A_29 = arith.constant 12544 : i32
    %dma_start3A_30 = tpu.memref_slice %arg6[%dma_start3A_29] : memref<25088xf32, #tpu.memory_space<vmem>> -> memref<6272xf32, #tpu.memory_space<vmem>>
    %dma_start3A_31 = tpu.memref_slice %arg3[%dma_start3A_24, %mul3A_5] : memref<4x100352xf32, #tpu.memory_space<hbm>> -> memref<1x6272xf32, #tpu.memory_space<hbm>>
    %dma_start3A_32 = tpu.memref_squeeze %dma_start3A_31 : memref<1x6272xf32, #tpu.memory_space<hbm>> -> memref<6272xf32, #tpu.memory_space<hbm>>
    tpu.enqueue_dma source(%dma_start3A_32 : memref<6272xf32, #tpu.memory_space<hbm>>) target(%dma_start3A_30 : memref<6272xf32, #tpu.memory_space<vmem>>) target_semaphore(%arg11 : memref<!tpu.dma_semaphore, #tpu.memory_space<semaphore_mem>>)
    %dma_start3A_33 = arith.constant 3 : i32
    %dma_start3A_34 = arith.constant 18816 : i32
    %dma_start3A_35 = tpu.memref_slice %arg6[%dma_start3A_34] : memref<25088xf32, #tpu.memory_space<vmem>> -> memref<6272xf32, #tpu.memory_space<vmem>>
    %dma_start3A_36 = tpu.memref_slice %arg3[%dma_start3A_33, %mul3A_5] : memref<4x100352xf32, #tpu.memory_space<hbm>> -> memref<1x6272xf32, #tpu.memory_space<hbm>>
    %dma_start3A_37 = tpu.memref_squeeze %dma_start3A_36 : memref<1x6272xf32, #tpu.memory_space<hbm>> -> memref<6272xf32, #tpu.memory_space<hbm>>
    %dma_start3A_38 = arith.constant 18816 : i32
    %dma_start3A_39 = tpu.memref_slice %arg6[%dma_start3A_38] : memref<25088xf32, #tpu.memory_space<vmem>> -> memref<6272xf32, #tpu.memory_space<vmem>>
    %dma_start3A_40 = tpu.memref_slice %arg3[%dma_start3A_33, %mul3A_5] : memref<4x100352xf32, #tpu.memory_space<hbm>> -> memref<1x6272xf32, #tpu.memory_space<hbm>>
    %dma_start3A_41 = tpu.memref_squeeze %dma_start3A_40 : memref<1x6272xf32, #tpu.memory_space<hbm>> -> memref<6272xf32, #tpu.memory_space<hbm>>
    tpu.enqueue_dma source(%dma_start3A_41 : memref<6272xf32, #tpu.memory_space<hbm>>) target(%dma_start3A_39 : memref<6272xf32, #tpu.memory_space<vmem>>) target_semaphore(%arg11 : memref<!tpu.dma_semaphore, #tpu.memory_space<semaphore_mem>>)
    %dma_wait3A = arith.constant 0 : i32
    %dma_wait3A_42 = arith.constant 0 : i32
    %dma_wait3A_43 = tpu.memref_slice %arg6[%dma_wait3A_42] : memref<25088xf32, #tpu.memory_space<vmem>> -> memref<6272xf32, #tpu.memory_space<vmem>>
    %dma_wait3A_44 = tpu.memref_slice %arg3[%dma_wait3A, %mul3A_5] : memref<4x100352xf32, #tpu.memory_space<hbm>> -> memref<1x6272xf32, #tpu.memory_space<hbm>>
    %dma_wait3A_45 = tpu.memref_squeeze %dma_wait3A_44 : memref<1x6272xf32, #tpu.memory_space<hbm>> -> memref<6272xf32, #tpu.memory_space<hbm>>
    %dma_wait3A_46 = arith.constant 0 : i32
    %dma_wait3A_47 = tpu.memref_slice %arg6[%dma_wait3A_46] : memref<25088xf32, #tpu.memory_space<vmem>> -> memref<6272xf32, #tpu.memory_space<vmem>>
    %dma_wait3A_48 = tpu.memref_slice %arg3[%dma_wait3A, %mul3A_5] : memref<4x100352xf32, #tpu.memory_space<hbm>> -> memref<1x6272xf32, #tpu.memory_space<hbm>>
    %dma_wait3A_49 = tpu.memref_squeeze %dma_wait3A_48 : memref<1x6272xf32, #tpu.memory_space<hbm>> -> memref<6272xf32, #tpu.memory_space<hbm>>
    tpu.wait_dma2 semaphore(%arg11 : memref<!tpu.dma_semaphore, #tpu.memory_space<semaphore_mem>>) src(%dma_wait3A_49 : memref<6272xf32, #tpu.memory_space<hbm>>) dst(%dma_wait3A_47 : memref<6272xf32, #tpu.memory_space<vmem>>)
    %dma_wait3A_50 = arith.constant 1 : i32
    %dma_wait3A_51 = arith.constant 6272 : i32
    %dma_wait3A_52 = tpu.memref_slice %arg6[%dma_wait3A_51] : memref<25088xf32, #tpu.memory_space<vmem>> -> memref<6272xf32, #tpu.memory_space<vmem>>
    %dma_wait3A_53 = tpu.memref_slice %arg3[%dma_wait3A_50, %mul3A_5] : memref<4x100352xf32, #tpu.memory_space<hbm>> -> memref<1x6272xf32, #tpu.memory_space<hbm>>
    %dma_wait3A_54 = tpu.memref_squeeze %dma_wait3A_53 : memref<1x6272xf32, #tpu.memory_space<hbm>> -> memref<6272xf32, #tpu.memory_space<hbm>>
    %dma_wait3A_55 = arith.constant 6272 : i32
    %dma_wait3A_56 = tpu.memref_slice %arg6[%dma_wait3A_55] : memref<25088xf32, #tpu.memory_space<vmem>> -> memref<6272xf32, #tpu.memory_space<vmem>>
    %dma_wait3A_57 = tpu.memref_slice %arg3[%dma_wait3A_50, %mul3A_5] : memref<4x100352xf32, #tpu.memory_space<hbm>> -> memref<1x6272xf32, #tpu.memory_space<hbm>>
    %dma_wait3A_58 = tpu.memref_squeeze %dma_wait3A_57 : memref<1x6272xf32, #tpu.memory_space<hbm>> -> memref<6272xf32, #tpu.memory_space<hbm>>
    tpu.wait_dma2 semaphore(%arg11 : memref<!tpu.dma_semaphore, #tpu.memory_space<semaphore_mem>>) src(%dma_wait3A_58 : memref<6272xf32, #tpu.memory_space<hbm>>) dst(%dma_wait3A_56 : memref<6272xf32, #tpu.memory_space<vmem>>)
    %dma_wait3A_59 = arith.constant 2 : i32
    %dma_wait3A_60 = arith.constant 12544 : i32
    %dma_wait3A_61 = tpu.memref_slice %arg6[%dma_wait3A_60] : memref<25088xf32, #tpu.memory_space<vmem>> -> memref<6272xf32, #tpu.memory_space<vmem>>
    %dma_wait3A_62 = tpu.memref_slice %arg3[%dma_wait3A_59, %mul3A_5] : memref<4x100352xf32, #tpu.memory_space<hbm>> -> memref<1x6272xf32, #tpu.memory_space<hbm>>
    %dma_wait3A_63 = tpu.memref_squeeze %dma_wait3A_62 : memref<1x6272xf32, #tpu.memory_space<hbm>> -> memref<6272xf32, #tpu.memory_space<hbm>>
    %dma_wait3A_64 = arith.constant 12544 : i32
    %dma_wait3A_65 = tpu.memref_slice %arg6[%dma_wait3A_64] : memref<25088xf32, #tpu.memory_space<vmem>> -> memref<6272xf32, #tpu.memory_space<vmem>>
    %dma_wait3A_66 = tpu.memref_slice %arg3[%dma_wait3A_59, %mul3A_5] : memref<4x100352xf32, #tpu.memory_space<hbm>> -> memref<1x6272xf32, #tpu.memory_space<hbm>>
    %dma_wait3A_67 = tpu.memref_squeeze %dma_wait3A_66 : memref<1x6272xf32, #tpu.memory_space<hbm>> -> memref<6272xf32, #tpu.memory_space<hbm>>
    tpu.wait_dma2 semaphore(%arg11 : memref<!tpu.dma_semaphore, #tpu.memory_space<semaphore_mem>>) src(%dma_wait3A_67 : memref<6272xf32, #tpu.memory_space<hbm>>) dst(%dma_wait3A_65 : memref<6272xf32, #tpu.memory_space<vmem>>)
    %dma_wait3A_68 = arith.constant 3 : i32
    %dma_wait3A_69 = arith.constant 18816 : i32
    %dma_wait3A_70 = tpu.memref_slice %arg6[%dma_wait3A_69] : memref<25088xf32, #tpu.memory_space<vmem>> -> memref<6272xf32, #tpu.memory_space<vmem>>
    %dma_wait3A_71 = tpu.memref_slice %arg3[%dma_wait3A_68, %mul3A_5] : memref<4x100352xf32, #tpu.memory_space<hbm>> -> memref<1x6272xf32, #tpu.memory_space<hbm>>
    %dma_wait3A_72 = tpu.memref_squeeze %dma_wait3A_71 : memref<1x6272xf32, #tpu.memory_space<hbm>> -> memref<6272xf32, #tpu.memory_space<hbm>>
    %dma_wait3A_73 = arith.constant 18816 : i32
    %dma_wait3A_74 = tpu.memref_slice %arg6[%dma_wait3A_73] : memref<25088xf32, #tpu.memory_space<vmem>> -> memref<6272xf32, #tpu.memory_space<vmem>>
    %dma_wait3A_75 = tpu.memref_slice %arg3[%dma_wait3A_68, %mul3A_5] : memref<4x100352xf32, #tpu.memory_space<hbm>> -> memref<1x6272xf32, #tpu.memory_space<hbm>>
    %dma_wait3A_76 = tpu.memref_squeeze %dma_wait3A_75 : memref<1x6272xf32, #tpu.memory_space<hbm>> -> memref<6272xf32, #tpu.memory_space<hbm>>
    tpu.wait_dma2 semaphore(%arg11 : memref<!tpu.dma_semaphore, #tpu.memory_space<semaphore_mem>>) src(%dma_wait3A_76 : memref<6272xf32, #tpu.memory_space<hbm>>) dst(%dma_wait3A_74 : memref<6272xf32, #tpu.memory_space<vmem>>)
    %scan3A = arith.constant 0 : i32
    %scan3A_77 = arith.constant 0 : i32
    %scan3A_78 = arith.constant 49 : i32
    %scan3A_79 = arith.addi %scan3A_77, %scan3A_78 : i32
    %scan3A_80 = arith.constant 1 : i32
    scf.for %scan3A_404 = %scan3A_77 to %scan3A_79 step %scan3A_80  : i32 {
      %mul3A_405 = arith.constant 8 : i32
      %mul3A_406 = arith.muli %scan3A_404, %mul3A_405 : i32
      %add3A_407 = arith.constant 0 : i32
      %add3A_408 = arith.addi %mul3A_406, %add3A_407 : i32
      %mul3A_409 = arith.constant 16 : i32
      %mul3A_410 = arith.muli %add3A_408, %mul3A_409 : i32
      %get3A = arith.index_cast %mul3A_410 : i32 to index
      %get3A_411 = tpu.vector_load %arg6[%get3A] {strides = array<i32>} : memref<25088xf32, #tpu.memory_space<vmem>>, vector<16xf32>,
      %get3A_412 = vector.shape_cast %get3A_411 : vector<16xf32> to vector<16xf32>
      %add3A_413 = arith.constant 6272 : i32
      %add3A_414 = arith.addi %add3A_413, %mul3A_410 : i32
      %get3A_415 = arith.index_cast %add3A_414 : i32 to index
      %get3A_416 = tpu.vector_load %arg6[%get3A_415] {strides = array<i32>} : memref<25088xf32, #tpu.memory_space<vmem>>, vector<16xf32>,
      %get3A_417 = vector.shape_cast %get3A_416 : vector<16xf32> to vector<16xf32>
      %add3A_418 = arith.addf %get3A_412, %get3A_417 : vector<16xf32>
      %add3A_419 = arith.constant 12544 : i32
      %add3A_420 = arith.addi %add3A_419, %mul3A_410 : i32
      %get3A_421 = arith.index_cast %add3A_420 : i32 to index
      %get3A_422 = tpu.vector_load %arg6[%get3A_421] {strides = array<i32>} : memref<25088xf32, #tpu.memory_space<vmem>>, vector<16xf32>,
      %get3A_423 = vector.shape_cast %get3A_422 : vector<16xf32> to vector<16xf32>
      %add3A_424 = arith.addf %add3A_418, %get3A_423 : vector<16xf32>
      %add3A_425 = arith.constant 18816 : i32
      %add3A_426 = arith.addi %add3A_425, %mul3A_410 : i32
      %get3A_427 = arith.index_cast %add3A_426 : i32 to index
      %get3A_428 = tpu.vector_load %arg6[%get3A_427] {strides = array<i32>} : memref<25088xf32, #tpu.memory_space<vmem>>, vector<16xf32>,
      %get3A_429 = vector.shape_cast %get3A_428 : vector<16xf32> to vector<16xf32>
      %add3A_430 = arith.addf %add3A_424, %get3A_429 : vector<16xf32>
      %swap3A = arith.index_cast %mul3A_410 : i32 to index
      %swap3A_431 = tpu.vector_load %arg7[%swap3A] {strides = array<i32>} : memref<6272xf32, #tpu.memory_space<vmem>>, vector<16xf32>,
      %swap3A_432 = vector.shape_cast %swap3A_431 : vector<16xf32> to vector<16xf32>
      %swap3A_433 = vector.shape_cast %add3A_430 : vector<16xf32> to vector<16xf32>
      tpu.vector_store %arg7[%swap3A], %swap3A_433 {strides = array<i32>} : memref<6272xf32, #tpu.memory_space<vmem>>, vector<16xf32>,
      %mul3A_434 = arith.constant 8 : i32
      %mul3A_435 = arith.muli %scan3A_404, %mul3A_434 : i32
      %add3A_436 = arith.constant 1 : i32
      %add3A_437 = arith.addi %mul3A_435, %add3A_436 : i32
      %mul3A_438 = arith.constant 16 : i32
      %mul3A_439 = arith.muli %add3A_437, %mul3A_438 : i32
      %get3A_440 = arith.index_cast %mul3A_439 : i32 to index
      %get3A_441 = tpu.vector_load %arg6[%get3A_440] {strides = array<i32>} : memref<25088xf32, #tpu.memory_space<vmem>>, vector<16xf32>,
      %get3A_442 = vector.shape_cast %get3A_441 : vector<16xf32> to vector<16xf32>
      %add3A_443 = arith.constant 6272 : i32
      %add3A_444 = arith.addi %add3A_443, %mul3A_439 : i32
      %get3A_445 = arith.index_cast %add3A_444 : i32 to index
      %get3A_446 = tpu.vector_load %arg6[%get3A_445] {strides = array<i32>} : memref<25088xf32, #tpu.memory_space<vmem>>, vector<16xf32>,
      %get3A_447 = vector.shape_cast %get3A_446 : vector<16xf32> to vector<16xf32>
      %add3A_448 = arith.addf %get3A_442, %get3A_447 : vector<16xf32>
      %add3A_449 = arith.constant 12544 : i32
      %add3A_450 = arith.addi %add3A_449, %mul3A_439 : i32
      %get3A_451 = arith.index_cast %add3A_450 : i32 to index
      %get3A_452 = tpu.vector_load %arg6[%get3A_451] {strides = array<i32>} : memref<25088xf32, #tpu.memory_space<vmem>>, vector<16xf32>,
      %get3A_453 = vector.shape_cast %get3A_452 : vector<16xf32> to vector<16xf32>
      %add3A_454 = arith.addf %add3A_448, %get3A_453 : vector<16xf32>
      %add3A_455 = arith.constant 18816 : i32
      %add3A_456 = arith.addi %add3A_455, %mul3A_439 : i32
      %get3A_457 = arith.index_cast %add3A_456 : i32 to index
      %get3A_458 = tpu.vector_load %arg6[%get3A_457] {strides = array<i32>} : memref<25088xf32, #tpu.memory_space<vmem>>, vector<16xf32>,
      %get3A_459 = vector.shape_cast %get3A_458 : vector<16xf32> to vector<16xf32>
      %add3A_460 = arith.addf %add3A_454, %get3A_459 : vector<16xf32>
      %swap3A_461 = arith.index_cast %mul3A_439 : i32 to index
      %swap3A_462 = tpu.vector_load %arg7[%swap3A_461] {strides = array<i32>} : memref<6272xf32, #tpu.memory_space<vmem>>, vector<16xf32>,
      %swap3A_463 = vector.shape_cast %swap3A_462 : vector<16xf32> to vector<16xf32>
      %swap3A_464 = vector.shape_cast %add3A_460 : vector<16xf32> to vector<16xf32>
      tpu.vector_store %arg7[%swap3A_461], %swap3A_464 {strides = array<i32>} : memref<6272xf32, #tpu.memory_space<vmem>>, vector<16xf32>,
      %mul3A_465 = arith.constant 8 : i32
      %mul3A_466 = arith.muli %scan3A_404, %mul3A_465 : i32
      %add3A_467 = arith.constant 2 : i32
      %add3A_468 = arith.addi %mul3A_466, %add3A_467 : i32
      %mul3A_469 = arith.constant 16 : i32
      %mul3A_470 = arith.muli %add3A_468, %mul3A_469 : i32
      %get3A_471 = arith.index_cast %mul3A_470 : i32 to index
      %get3A_472 = tpu.vector_load %arg6[%get3A_471] {strides = array<i32>} : memref<25088xf32, #tpu.memory_space<vmem>>, vector<16xf32>,
      %get3A_473 = vector.shape_cast %get3A_472 : vector<16xf32> to vector<16xf32>
      %add3A_474 = arith.constant 6272 : i32
      %add3A_475 = arith.addi %add3A_474, %mul3A_470 : i32
      %get3A_476 = arith.index_cast %add3A_475 : i32 to index
      %get3A_477 = tpu.vector_load %arg6[%get3A_476] {strides = array<i32>} : memref<25088xf32, #tpu.memory_space<vmem>>, vector<16xf32>,
      %get3A_478 = vector.shape_cast %get3A_477 : vector<16xf32> to vector<16xf32>
      %add3A_479 = arith.addf %get3A_473, %get3A_478 : vector<16xf32>
      %add3A_480 = arith.constant 12544 : i32
      %add3A_481 = arith.addi %add3A_480, %mul3A_470 : i32
      %get3A_482 = arith.index_cast %add3A_481 : i32 to index
      %get3A_483 = tpu.vector_load %arg6[%get3A_482] {strides = array<i32>} : memref<25088xf32, #tpu.memory_space<vmem>>, vector<16xf32>,
      %get3A_484 = vector.shape_cast %get3A_483 : vector<16xf32> to vector<16xf32>
      %add3A_485 = arith.addf %add3A_479, %get3A_484 : vector<16xf32>
      %add3A_486 = arith.constant 18816 : i32
      %add3A_487 = arith.addi %add3A_486, %mul3A_470 : i32
      %get3A_488 = arith.index_cast %add3A_487 : i32 to index
      %get3A_489 = tpu.vector_load %arg6[%get3A_488] {strides = array<i32>} : memref<25088xf32, #tpu.memory_space<vmem>>, vector<16xf32>,
      %get3A_490 = vector.shape_cast %get3A_489 : vector<16xf32> to vector<16xf32>
      %add3A_491 = arith.addf %add3A_485, %get3A_490 : vector<16xf32>
      %swap3A_492 = arith.index_cast %mul3A_470 : i32 to index
      %swap3A_493 = tpu.vector_load %arg7[%swap3A_492] {strides = array<i32>} : memref<6272xf32, #tpu.memory_space<vmem>>, vector<16xf32>,
      %swap3A_494 = vector.shape_cast %swap3A_493 : vector<16xf32> to vector<16xf32>
      %swap3A_495 = vector.shape_cast %add3A_491 : vector<16xf32> to vector<16xf32>
      tpu.vector_store %arg7[%swap3A_492], %swap3A_495 {strides = array<i32>} : memref<6272xf32, #tpu.memory_space<vmem>>, vector<16xf32>,
      %mul3A_496 = arith.constant 8 : i32
      %mul3A_497 = arith.muli %scan3A_404, %mul3A_496 : i32
      %add3A_498 = arith.constant 3 : i32
      %add3A_499 = arith.addi %mul3A_497, %add3A_498 : i32
      %mul3A_500 = arith.constant 16 : i32
      %mul3A_501 = arith.muli %add3A_499, %mul3A_500 : i32
      %get3A_502 = arith.index_cast %mul3A_501 : i32 to index
      %get3A_503 = tpu.vector_load %arg6[%get3A_502] {strides = array<i32>} : memref<25088xf32, #tpu.memory_space<vmem>>, vector<16xf32>,
      %get3A_504 = vector.shape_cast %get3A_503 : vector<16xf32> to vector<16xf32>
      %add3A_505 = arith.constant 6272 : i32
      %add3A_506 = arith.addi %add3A_505, %mul3A_501 : i32
      %get3A_507 = arith.index_cast %add3A_506 : i32 to index
      %get3A_508 = tpu.vector_load %arg6[%get3A_507] {strides = array<i32>} : memref<25088xf32, #tpu.memory_space<vmem>>, vector<16xf32>,
      %get3A_509 = vector.shape_cast %get3A_508 : vector<16xf32> to vector<16xf32>
      %add3A_510 = arith.addf %get3A_504, %get3A_509 : vector<16xf32>
      %add3A_511 = arith.constant 12544 : i32
      %add3A_512 = arith.addi %add3A_511, %mul3A_501 : i32
      %get3A_513 = arith.index_cast %add3A_512 : i32 to index
      %get3A_514 = tpu.vector_load %arg6[%get3A_513] {strides = array<i32>} : memref<25088xf32, #tpu.memory_space<vmem>>, vector<16xf32>,
      %get3A_515 = vector.shape_cast %get3A_514 : vector<16xf32> to vector<16xf32>
      %add3A_516 = arith.addf %add3A_510, %get3A_515 : vector<16xf32>
      %add3A_517 = arith.constant 18816 : i32
      %add3A_518 = arith.addi %add3A_517, %mul3A_501 : i32
      %get3A_519 = arith.index_cast %add3A_518 : i32 to index
      %get3A_520 = tpu.vector_load %arg6[%get3A_519] {strides = array<i32>} : memref<25088xf32, #tpu.memory_space<vmem>>, vector<16xf32>,
      %get3A_521 = vector.shape_cast %get3A_520 : vector<16xf32> to vector<16xf32>
      %add3A_522 = arith.addf %add3A_516, %get3A_521 : vector<16xf32>
      %swap3A_523 = arith.index_cast %mul3A_501 : i32 to index
      %swap3A_524 = tpu.vector_load %arg7[%swap3A_523] {strides = array<i32>} : memref<6272xf32, #tpu.memory_space<vmem>>, vector<16xf32>,
      %swap3A_525 = vector.shape_cast %swap3A_524 : vector<16xf32> to vector<16xf32>
      %swap3A_526 = vector.shape_cast %add3A_522 : vector<16xf32> to vector<16xf32>
      tpu.vector_store %arg7[%swap3A_523], %swap3A_526 {strides = array<i32>} : memref<6272xf32, #tpu.memory_space<vmem>>, vector<16xf32>,
      %mul3A_527 = arith.constant 8 : i32
      %mul3A_528 = arith.muli %scan3A_404, %mul3A_527 : i32
      %add3A_529 = arith.constant 4 : i32
      %add3A_530 = arith.addi %mul3A_528, %add3A_529 : i32
      %mul3A_531 = arith.constant 16 : i32
      %mul3A_532 = arith.muli %add3A_530, %mul3A_531 : i32
      %get3A_533 = arith.index_cast %mul3A_532 : i32 to index
      %get3A_534 = tpu.vector_load %arg6[%get3A_533] {strides = array<i32>} : memref<25088xf32, #tpu.memory_space<vmem>>, vector<16xf32>,
      %get3A_535 = vector.shape_cast %get3A_534 : vector<16xf32> to vector<16xf32>
      %add3A_536 = arith.constant 6272 : i32
      %add3A_537 = arith.addi %add3A_536, %mul3A_532 : i32
      %get3A_538 = arith.index_cast %add3A_537 : i32 to index
      %get3A_539 = tpu.vector_load %arg6[%get3A_538] {strides = array<i32>} : memref<25088xf32, #tpu.memory_space<vmem>>, vector<16xf32>,
      %get3A_540 = vector.shape_cast %get3A_539 : vector<16xf32> to vector<16xf32>
      %add3A_541 = arith.addf %get3A_535, %get3A_540 : vector<16xf32>
      %add3A_542 = arith.constant 12544 : i32
      %add3A_543 = arith.addi %add3A_542, %mul3A_532 : i32
      %get3A_544 = arith.index_cast %add3A_543 : i32 to index
      %get3A_545 = tpu.vector_load %arg6[%get3A_544] {strides = array<i32>} : memref<25088xf32, #tpu.memory_space<vmem>>, vector<16xf32>,
      %get3A_546 = vector.shape_cast %get3A_545 : vector<16xf32> to vector<16xf32>
      %add3A_547 = arith.addf %add3A_541, %get3A_546 : vector<16xf32>
      %add3A_548 = arith.constant 18816 : i32
      %add3A_549 = arith.addi %add3A_548, %mul3A_532 : i32
      %get3A_550 = arith.index_cast %add3A_549 : i32 to index
      %get3A_551 = tpu.vector_load %arg6[%get3A_550] {strides = array<i32>} : memref<25088xf32, #tpu.memory_space<vmem>>, vector<16xf32>,
      %get3A_552 = vector.shape_cast %get3A_551 : vector<16xf32> to vector<16xf32>
      %add3A_553 = arith.addf %add3A_547, %get3A_552 : vector<16xf32>
      %swap3A_554 = arith.index_cast %mul3A_532 : i32 to index
      %swap3A_555 = tpu.vector_load %arg7[%swap3A_554] {strides = array<i32>} : memref<6272xf32, #tpu.memory_space<vmem>>, vector<16xf32>,
      %swap3A_556 = vector.shape_cast %swap3A_555 : vector<16xf32> to vector<16xf32>
      %swap3A_557 = vector.shape_cast %add3A_553 : vector<16xf32> to vector<16xf32>
      tpu.vector_store %arg7[%swap3A_554], %swap3A_557 {strides = array<i32>} : memref<6272xf32, #tpu.memory_space<vmem>>, vector<16xf32>,
      %mul3A_558 = arith.constant 8 : i32
      %mul3A_559 = arith.muli %scan3A_404, %mul3A_558 : i32
      %add3A_560 = arith.constant 5 : i32
      %add3A_561 = arith.addi %mul3A_559, %add3A_560 : i32
      %mul3A_562 = arith.constant 16 : i32
      %mul3A_563 = arith.muli %add3A_561, %mul3A_562 : i32
      %get3A_564 = arith.index_cast %mul3A_563 : i32 to index
      %get3A_565 = tpu.vector_load %arg6[%get3A_564] {strides = array<i32>} : memref<25088xf32, #tpu.memory_space<vmem>>, vector<16xf32>,
      %get3A_566 = vector.shape_cast %get3A_565 : vector<16xf32> to vector<16xf32>
      %add3A_567 = arith.constant 6272 : i32
      %add3A_568 = arith.addi %add3A_567, %mul3A_563 : i32
      %get3A_569 = arith.index_cast %add3A_568 : i32 to index
      %get3A_570 = tpu.vector_load %arg6[%get3A_569] {strides = array<i32>} : memref<25088xf32, #tpu.memory_space<vmem>>, vector<16xf32>,
      %get3A_571 = vector.shape_cast %get3A_570 : vector<16xf32> to vector<16xf32>
      %add3A_572 = arith.addf %get3A_566, %get3A_571 : vector<16xf32>
      %add3A_573 = arith.constant 12544 : i32
      %add3A_574 = arith.addi %add3A_573, %mul3A_563 : i32
      %get3A_575 = arith.index_cast %add3A_574 : i32 to index
      %get3A_576 = tpu.vector_load %arg6[%get3A_575] {strides = array<i32>} : memref<25088xf32, #tpu.memory_space<vmem>>, vector<16xf32>,
      %get3A_577 = vector.shape_cast %get3A_576 : vector<16xf32> to vector<16xf32>
      %add3A_578 = arith.addf %add3A_572, %get3A_577 : vector<16xf32>
      %add3A_579 = arith.constant 18816 : i32
      %add3A_580 = arith.addi %add3A_579, %mul3A_563 : i32
      %get3A_581 = arith.index_cast %add3A_580 : i32 to index
      %get3A_582 = tpu.vector_load %arg6[%get3A_581] {strides = array<i32>} : memref<25088xf32, #tpu.memory_space<vmem>>, vector<16xf32>,
      %get3A_583 = vector.shape_cast %get3A_582 : vector<16xf32> to vector<16xf32>
      %add3A_584 = arith.addf %add3A_578, %get3A_583 : vector<16xf32>
      %swap3A_585 = arith.index_cast %mul3A_563 : i32 to index
      %swap3A_586 = tpu.vector_load %arg7[%swap3A_585] {strides = array<i32>} : memref<6272xf32, #tpu.memory_space<vmem>>, vector<16xf32>,
      %swap3A_587 = vector.shape_cast %swap3A_586 : vector<16xf32> to vector<16xf32>
      %swap3A_588 = vector.shape_cast %add3A_584 : vector<16xf32> to vector<16xf32>
      tpu.vector_store %arg7[%swap3A_585], %swap3A_588 {strides = array<i32>} : memref<6272xf32, #tpu.memory_space<vmem>>, vector<16xf32>,
      %mul3A_589 = arith.constant 8 : i32
      %mul3A_590 = arith.muli %scan3A_404, %mul3A_589 : i32
      %add3A_591 = arith.constant 6 : i32
      %add3A_592 = arith.addi %mul3A_590, %add3A_591 : i32
      %mul3A_593 = arith.constant 16 : i32
      %mul3A_594 = arith.muli %add3A_592, %mul3A_593 : i32
      %get3A_595 = arith.index_cast %mul3A_594 : i32 to index
      %get3A_596 = tpu.vector_load %arg6[%get3A_595] {strides = array<i32>} : memref<25088xf32, #tpu.memory_space<vmem>>, vector<16xf32>,
      %get3A_597 = vector.shape_cast %get3A_596 : vector<16xf32> to vector<16xf32>
      %add3A_598 = arith.constant 6272 : i32
      %add3A_599 = arith.addi %add3A_598, %mul3A_594 : i32
      %get3A_600 = arith.index_cast %add3A_599 : i32 to index
      %get3A_601 = tpu.vector_load %arg6[%get3A_600] {strides = array<i32>} : memref<25088xf32, #tpu.memory_space<vmem>>, vector<16xf32>,
      %get3A_602 = vector.shape_cast %get3A_601 : vector<16xf32> to vector<16xf32>
      %add3A_603 = arith.addf %get3A_597, %get3A_602 : vector<16xf32>
      %add3A_604 = arith.constant 12544 : i32
      %add3A_605 = arith.addi %add3A_604, %mul3A_594 : i32
      %get3A_606 = arith.index_cast %add3A_605 : i32 to index
      %get3A_607 = tpu.vector_load %arg6[%get3A_606] {strides = array<i32>} : memref<25088xf32, #tpu.memory_space<vmem>>, vector<16xf32>,
      %get3A_608 = vector.shape_cast %get3A_607 : vector<16xf32> to vector<16xf32>
      %add3A_609 = arith.addf %add3A_603, %get3A_608 : vector<16xf32>
      %add3A_610 = arith.constant 18816 : i32
      %add3A_611 = arith.addi %add3A_610, %mul3A_594 : i32
      %get3A_612 = arith.index_cast %add3A_611 : i32 to index
      %get3A_613 = tpu.vector_load %arg6[%get3A_612] {strides = array<i32>} : memref<25088xf32, #tpu.memory_space<vmem>>, vector<16xf32>,
      %get3A_614 = vector.shape_cast %get3A_613 : vector<16xf32> to vector<16xf32>
      %add3A_615 = arith.addf %add3A_609, %get3A_614 : vector<16xf32>
      %swap3A_616 = arith.index_cast %mul3A_594 : i32 to index
      %swap3A_617 = tpu.vector_load %arg7[%swap3A_616] {strides = array<i32>} : memref<6272xf32, #tpu.memory_space<vmem>>, vector<16xf32>,
      %swap3A_618 = vector.shape_cast %swap3A_617 : vector<16xf32> to vector<16xf32>
      %swap3A_619 = vector.shape_cast %add3A_615 : vector<16xf32> to vector<16xf32>
      tpu.vector_store %arg7[%swap3A_616], %swap3A_619 {strides = array<i32>} : memref<6272xf32, #tpu.memory_space<vmem>>, vector<16xf32>,
      %mul3A_620 = arith.constant 8 : i32
      %mul3A_621 = arith.muli %scan3A_404, %mul3A_620 : i32
      %add3A_622 = arith.constant 7 : i32
      %add3A_623 = arith.addi %mul3A_621, %add3A_622 : i32
      %mul3A_624 = arith.constant 16 : i32
      %mul3A_625 = arith.muli %add3A_623, %mul3A_624 : i32
      %get3A_626 = arith.index_cast %mul3A_625 : i32 to index
      %get3A_627 = tpu.vector_load %arg6[%get3A_626] {strides = array<i32>} : memref<25088xf32, #tpu.memory_space<vmem>>, vector<16xf32>,
      %get3A_628 = vector.shape_cast %get3A_627 : vector<16xf32> to vector<16xf32>
      %add3A_629 = arith.constant 6272 : i32
      %add3A_630 = arith.addi %add3A_629, %mul3A_625 : i32
      %get3A_631 = arith.index_cast %add3A_630 : i32 to index
      %get3A_632 = tpu.vector_load %arg6[%get3A_631] {strides = array<i32>} : memref<25088xf32, #tpu.memory_space<vmem>>, vector<16xf32>,
      %get3A_633 = vector.shape_cast %get3A_632 : vector<16xf32> to vector<16xf32>
      %add3A_634 = arith.addf %get3A_628, %get3A_633 : vector<16xf32>
      %add3A_635 = arith.constant 12544 : i32
      %add3A_636 = arith.addi %add3A_635, %mul3A_625 : i32
      %get3A_637 = arith.index_cast %add3A_636 : i32 to index
      %get3A_638 = tpu.vector_load %arg6[%get3A_637] {strides = array<i32>} : memref<25088xf32, #tpu.memory_space<vmem>>, vector<16xf32>,
      %get3A_639 = vector.shape_cast %get3A_638 : vector<16xf32> to vector<16xf32>
      %add3A_640 = arith.addf %add3A_634, %get3A_639 : vector<16xf32>
      %add3A_641 = arith.constant 18816 : i32
      %add3A_642 = arith.addi %add3A_641, %mul3A_625 : i32
      %get3A_643 = arith.index_cast %add3A_642 : i32 to index
      %get3A_644 = tpu.vector_load %arg6[%get3A_643] {strides = array<i32>} : memref<25088xf32, #tpu.memory_space<vmem>>, vector<16xf32>,
      %get3A_645 = vector.shape_cast %get3A_644 : vector<16xf32> to vector<16xf32>
      %add3A_646 = arith.addf %add3A_640, %get3A_645 : vector<16xf32>
      %swap3A_647 = arith.index_cast %mul3A_625 : i32 to index
      %swap3A_648 = tpu.vector_load %arg7[%swap3A_647] {strides = array<i32>} : memref<6272xf32, #tpu.memory_space<vmem>>, vector<16xf32>,
      %swap3A_649 = vector.shape_cast %swap3A_648 : vector<16xf32> to vector<16xf32>
      %swap3A_650 = vector.shape_cast %add3A_646 : vector<16xf32> to vector<16xf32>
      tpu.vector_store %arg7[%swap3A_647], %swap3A_650 {strides = array<i32>} : memref<6272xf32, #tpu.memory_space<vmem>>, vector<16xf32>,
    }
    %scan3A_81 = arith.constant 49 : i32
    "tpu.region"() ({
      %run_scoped3A = tpu.sem_alloc : memref<!tpu.dma_semaphore, #tpu.memory_space<semaphore_mem>>
      %dma_start3A_404 = tpu.memref_slice %arg5[%mul3A_5] : memref<100352xf32, #tpu.memory_space<vmem_shared>> -> memref<6272xf32, #tpu.memory_space<vmem_shared>>
      %dma_start3A_405 = tpu.memref_slice %arg5[%mul3A_5] : memref<100352xf32, #tpu.memory_space<vmem_shared>> -> memref<6272xf32, #tpu.memory_space<vmem_shared>>
      tpu.enqueue_dma source(%arg7 : memref<6272xf32, #tpu.memory_space<vmem>>) target(%dma_start3A_405 : memref<6272xf32, #tpu.memory_space<vmem_shared>>) target_semaphore(%run_scoped3A : memref<!tpu.dma_semaphore, #tpu.memory_space<semaphore_mem>>)
      %dma_wait3A_406 = tpu.memref_slice %arg5[%mul3A_5] : memref<100352xf32, #tpu.memory_space<vmem_shared>> -> memref<6272xf32, #tpu.memory_space<vmem_shared>>
      %dma_wait3A_407 = tpu.memref_slice %arg5[%mul3A_5] : memref<100352xf32, #tpu.memory_space<vmem_shared>> -> memref<6272xf32, #tpu.memory_space<vmem_shared>>
      tpu.wait_dma2 semaphore(%run_scoped3A : memref<!tpu.dma_semaphore, #tpu.memory_space<semaphore_mem>>) src(%arg7 : memref<6272xf32, #tpu.memory_space<vmem>>) dst(%dma_wait3A_407 : memref<6272xf32, #tpu.memory_space<vmem_shared>>)
      tpu.yield
    }) : () -> ()
    %barrier3A = arith.constant 0 : index
    tpu.barrier barrier_id(%barrier3A)
    %dma_wait3A_82 = tpu.memref_slice %arg2[%mul3A_2] : memref<106496xi32, #tpu.memory_space<hbm>> -> memref<3328xi32, #tpu.memory_space<hbm>>
    %dma_wait3A_83 = tpu.memref_slice %arg2[%mul3A_2] : memref<106496xi32, #tpu.memory_space<hbm>> -> memref<3328xi32, #tpu.memory_space<hbm>>
    tpu.wait_dma2 semaphore(%arg12 : memref<!tpu.dma_semaphore, #tpu.memory_space<semaphore_mem>>) src(%dma_wait3A_83 : memref<3328xi32, #tpu.memory_space<hbm>>) dst(%arg8 : memref<3328xi32, #tpu.memory_space<vmem>>)
    %dma_start3A_84 = arith.constant 0 : i32
    %dma_start3A_85 = tpu.memref_slice %arg9[%dma_start3A_84] : memref<3328xf32, #tpu.memory_space<vmem>> -> memref<128xf32, #tpu.memory_space<vmem>>
    %dma_start3A_86 = arith.constant 0 : i32
    %dma_start3A_87 = tpu.memref_slice %arg8[%dma_start3A_86] : memref<3328xi32, #tpu.memory_space<vmem>> -> memref<128xi32, #tpu.memory_space<vmem>>
    %dma_start3A_88 = arith.constant 0 : i32
    %dma_start3A_89 = tpu.memref_slice %arg5[%dma_start3A_88] : memref<100352xf32, #tpu.memory_space<vmem_shared>> -> memref<100352xf32, #tpu.memory_space<vmem_shared>>
    tpu.enqueue_indirect_dma source(%dma_start3A_89 : memref<100352xf32, #tpu.memory_space<vmem_shared>>) target(%dma_start3A_85 : memref<128xf32, #tpu.memory_space<vmem>>) offsets(%dma_start3A_87 : memref<128xi32, #tpu.memory_space<vmem>>) semaphore(%arg11 : memref<!tpu.dma_semaphore, #tpu.memory_space<semaphore_mem>>)
    %dma_start3A_90 = arith.constant 128 : i32
    %dma_start3A_91 = tpu.memref_slice %arg9[%dma_start3A_90] : memref<3328xf32, #tpu.memory_space<vmem>> -> memref<128xf32, #tpu.memory_space<vmem>>
    %dma_start3A_92 = arith.constant 128 : i32
    %dma_start3A_93 = tpu.memref_slice %arg8[%dma_start3A_92] : memref<3328xi32, #tpu.memory_space<vmem>> -> memref<128xi32, #tpu.memory_space<vmem>>
    %dma_start3A_94 = arith.constant 0 : i32
    %dma_start3A_95 = tpu.memref_slice %arg5[%dma_start3A_94] : memref<100352xf32, #tpu.memory_space<vmem_shared>> -> memref<100352xf32, #tpu.memory_space<vmem_shared>>
    tpu.enqueue_indirect_dma source(%dma_start3A_95 : memref<100352xf32, #tpu.memory_space<vmem_shared>>) target(%dma_start3A_91 : memref<128xf32, #tpu.memory_space<vmem>>) offsets(%dma_start3A_93 : memref<128xi32, #tpu.memory_space<vmem>>) semaphore(%arg11 : memref<!tpu.dma_semaphore, #tpu.memory_space<semaphore_mem>>)
    %dma_start3A_96 = arith.constant 256 : i32
    %dma_start3A_97 = tpu.memref_slice %arg9[%dma_start3A_96] : memref<3328xf32, #tpu.memory_space<vmem>> -> memref<128xf32, #tpu.memory_space<vmem>>
    %dma_start3A_98 = arith.constant 256 : i32
    %dma_start3A_99 = tpu.memref_slice %arg8[%dma_start3A_98] : memref<3328xi32, #tpu.memory_space<vmem>> -> memref<128xi32, #tpu.memory_space<vmem>>
    %dma_start3A_100 = arith.constant 0 : i32
    %dma_start3A_101 = tpu.memref_slice %arg5[%dma_start3A_100] : memref<100352xf32, #tpu.memory_space<vmem_shared>> -> memref<100352xf32, #tpu.memory_space<vmem_shared>>
    tpu.enqueue_indirect_dma source(%dma_start3A_101 : memref<100352xf32, #tpu.memory_space<vmem_shared>>) target(%dma_start3A_97 : memref<128xf32, #tpu.memory_space<vmem>>) offsets(%dma_start3A_99 : memref<128xi32, #tpu.memory_space<vmem>>) semaphore(%arg11 : memref<!tpu.dma_semaphore, #tpu.memory_space<semaphore_mem>>)
    %dma_start3A_102 = arith.constant 384 : i32
    %dma_start3A_103 = tpu.memref_slice %arg9[%dma_start3A_102] : memref<3328xf32, #tpu.memory_space<vmem>> -> memref<128xf32, #tpu.memory_space<vmem>>
    %dma_start3A_104 = arith.constant 384 : i32
    %dma_start3A_105 = tpu.memref_slice %arg8[%dma_start3A_104] : memref<3328xi32, #tpu.memory_space<vmem>> -> memref<128xi32, #tpu.memory_space<vmem>>
    %dma_start3A_106 = arith.constant 0 : i32
    %dma_start3A_107 = tpu.memref_slice %arg5[%dma_start3A_106] : memref<100352xf32, #tpu.memory_space<vmem_shared>> -> memref<100352xf32, #tpu.memory_space<vmem_shared>>
    tpu.enqueue_indirect_dma source(%dma_start3A_107 : memref<100352xf32, #tpu.memory_space<vmem_shared>>) target(%dma_start3A_103 : memref<128xf32, #tpu.memory_space<vmem>>) offsets(%dma_start3A_105 : memref<128xi32, #tpu.memory_space<vmem>>) semaphore(%arg11 : memref<!tpu.dma_semaphore, #tpu.memory_space<semaphore_mem>>)
    %dma_start3A_108 = arith.constant 512 : i32
    %dma_start3A_109 = tpu.memref_slice %arg9[%dma_start3A_108] : memref<3328xf32, #tpu.memory_space<vmem>> -> memref<128xf32, #tpu.memory_space<vmem>>
    %dma_start3A_110 = arith.constant 512 : i32
    %dma_start3A_111 = tpu.memref_slice %arg8[%dma_start3A_110] : memref<3328xi32, #tpu.memory_space<vmem>> -> memref<128xi32, #tpu.memory_space<vmem>>
    %dma_start3A_112 = arith.constant 0 : i32
    %dma_start3A_113 = tpu.memref_slice %arg5[%dma_start3A_112] : memref<100352xf32, #tpu.memory_space<vmem_shared>> -> memref<100352xf32, #tpu.memory_space<vmem_shared>>
    tpu.enqueue_indirect_dma source(%dma_start3A_113 : memref<100352xf32, #tpu.memory_space<vmem_shared>>) target(%dma_start3A_109 : memref<128xf32, #tpu.memory_space<vmem>>) offsets(%dma_start3A_111 : memref<128xi32, #tpu.memory_space<vmem>>) semaphore(%arg11 : memref<!tpu.dma_semaphore, #tpu.memory_space<semaphore_mem>>)
    %dma_start3A_114 = arith.constant 640 : i32
    %dma_start3A_115 = tpu.memref_slice %arg9[%dma_start3A_114] : memref<3328xf32, #tpu.memory_space<vmem>> -> memref<128xf32, #tpu.memory_space<vmem>>
    %dma_start3A_116 = arith.constant 640 : i32
    %dma_start3A_117 = tpu.memref_slice %arg8[%dma_start3A_116] : memref<3328xi32, #tpu.memory_space<vmem>> -> memref<128xi32, #tpu.memory_space<vmem>>
    %dma_start3A_118 = arith.constant 0 : i32
    %dma_start3A_119 = tpu.memref_slice %arg5[%dma_start3A_118] : memref<100352xf32, #tpu.memory_space<vmem_shared>> -> memref<100352xf32, #tpu.memory_space<vmem_shared>>
    tpu.enqueue_indirect_dma source(%dma_start3A_119 : memref<100352xf32, #tpu.memory_space<vmem_shared>>) target(%dma_start3A_115 : memref<128xf32, #tpu.memory_space<vmem>>) offsets(%dma_start3A_117 : memref<128xi32, #tpu.memory_space<vmem>>) semaphore(%arg11 : memref<!tpu.dma_semaphore, #tpu.memory_space<semaphore_mem>>)
    %dma_start3A_120 = arith.constant 768 : i32
    %dma_start3A_121 = tpu.memref_slice %arg9[%dma_start3A_120] : memref<3328xf32, #tpu.memory_space<vmem>> -> memref<128xf32, #tpu.memory_space<vmem>>
    %dma_start3A_122 = arith.constant 768 : i32
    %dma_start3A_123 = tpu.memref_slice %arg8[%dma_start3A_122] : memref<3328xi32, #tpu.memory_space<vmem>> -> memref<128xi32, #tpu.memory_space<vmem>>
    %dma_start3A_124 = arith.constant 0 : i32
    %dma_start3A_125 = tpu.memref_slice %arg5[%dma_start3A_124] : memref<100352xf32, #tpu.memory_space<vmem_shared>> -> memref<100352xf32, #tpu.memory_space<vmem_shared>>
    tpu.enqueue_indirect_dma source(%dma_start3A_125 : memref<100352xf32, #tpu.memory_space<vmem_shared>>) target(%dma_start3A_121 : memref<128xf32, #tpu.memory_space<vmem>>) offsets(%dma_start3A_123 : memref<128xi32, #tpu.memory_space<vmem>>) semaphore(%arg11 : memref<!tpu.dma_semaphore, #tpu.memory_space<semaphore_mem>>)
    %dma_start3A_126 = arith.constant 896 : i32
    %dma_start3A_127 = tpu.memref_slice %arg9[%dma_start3A_126] : memref<3328xf32, #tpu.memory_space<vmem>> -> memref<128xf32, #tpu.memory_space<vmem>>
    %dma_start3A_128 = arith.constant 896 : i32
    %dma_start3A_129 = tpu.memref_slice %arg8[%dma_start3A_128] : memref<3328xi32, #tpu.memory_space<vmem>> -> memref<128xi32, #tpu.memory_space<vmem>>
    %dma_start3A_130 = arith.constant 0 : i32
    %dma_start3A_131 = tpu.memref_slice %arg5[%dma_start3A_130] : memref<100352xf32, #tpu.memory_space<vmem_shared>> -> memref<100352xf32, #tpu.memory_space<vmem_shared>>
    tpu.enqueue_indirect_dma source(%dma_start3A_131 : memref<100352xf32, #tpu.memory_space<vmem_shared>>) target(%dma_start3A_127 : memref<128xf32, #tpu.memory_space<vmem>>) offsets(%dma_start3A_129 : memref<128xi32, #tpu.memory_space<vmem>>) semaphore(%arg11 : memref<!tpu.dma_semaphore, #tpu.memory_space<semaphore_mem>>)
    %dma_start3A_132 = arith.constant 1024 : i32
    %dma_start3A_133 = tpu.memref_slice %arg9[%dma_start3A_132] : memref<3328xf32, #tpu.memory_space<vmem>> -> memref<128xf32, #tpu.memory_space<vmem>>
    %dma_start3A_134 = arith.constant 1024 : i32
    %dma_start3A_135 = tpu.memref_slice %arg8[%dma_start3A_134] : memref<3328xi32, #tpu.memory_space<vmem>> -> memref<128xi32, #tpu.memory_space<vmem>>
    %dma_start3A_136 = arith.constant 0 : i32
    %dma_start3A_137 = tpu.memref_slice %arg5[%dma_start3A_136] : memref<100352xf32, #tpu.memory_space<vmem_shared>> -> memref<100352xf32, #tpu.memory_space<vmem_shared>>
    tpu.enqueue_indirect_dma source(%dma_start3A_137 : memref<100352xf32, #tpu.memory_space<vmem_shared>>) target(%dma_start3A_133 : memref<128xf32, #tpu.memory_space<vmem>>) offsets(%dma_start3A_135 : memref<128xi32, #tpu.memory_space<vmem>>) semaphore(%arg11 : memref<!tpu.dma_semaphore, #tpu.memory_space<semaphore_mem>>)
    %dma_start3A_138 = arith.constant 1152 : i32
    %dma_start3A_139 = tpu.memref_slice %arg9[%dma_start3A_138] : memref<3328xf32, #tpu.memory_space<vmem>> -> memref<128xf32, #tpu.memory_space<vmem>>
    %dma_start3A_140 = arith.constant 1152 : i32
    %dma_start3A_141 = tpu.memref_slice %arg8[%dma_start3A_140] : memref<3328xi32, #tpu.memory_space<vmem>> -> memref<128xi32, #tpu.memory_space<vmem>>
    %dma_start3A_142 = arith.constant 0 : i32
    %dma_start3A_143 = tpu.memref_slice %arg5[%dma_start3A_142] : memref<100352xf32, #tpu.memory_space<vmem_shared>> -> memref<100352xf32, #tpu.memory_space<vmem_shared>>
    tpu.enqueue_indirect_dma source(%dma_start3A_143 : memref<100352xf32, #tpu.memory_space<vmem_shared>>) target(%dma_start3A_139 : memref<128xf32, #tpu.memory_space<vmem>>) offsets(%dma_start3A_141 : memref<128xi32, #tpu.memory_space<vmem>>) semaphore(%arg11 : memref<!tpu.dma_semaphore, #tpu.memory_space<semaphore_mem>>)
    %dma_start3A_144 = arith.constant 1280 : i32
    %dma_start3A_145 = tpu.memref_slice %arg9[%dma_start3A_144] : memref<3328xf32, #tpu.memory_space<vmem>> -> memref<128xf32, #tpu.memory_space<vmem>>
    %dma_start3A_146 = arith.constant 1280 : i32
    %dma_start3A_147 = tpu.memref_slice %arg8[%dma_start3A_146] : memref<3328xi32, #tpu.memory_space<vmem>> -> memref<128xi32, #tpu.memory_space<vmem>>
    %dma_start3A_148 = arith.constant 0 : i32
    %dma_start3A_149 = tpu.memref_slice %arg5[%dma_start3A_148] : memref<100352xf32, #tpu.memory_space<vmem_shared>> -> memref<100352xf32, #tpu.memory_space<vmem_shared>>
    tpu.enqueue_indirect_dma source(%dma_start3A_149 : memref<100352xf32, #tpu.memory_space<vmem_shared>>) target(%dma_start3A_145 : memref<128xf32, #tpu.memory_space<vmem>>) offsets(%dma_start3A_147 : memref<128xi32, #tpu.memory_space<vmem>>) semaphore(%arg11 : memref<!tpu.dma_semaphore, #tpu.memory_space<semaphore_mem>>)
    %dma_start3A_150 = arith.constant 1408 : i32
    %dma_start3A_151 = tpu.memref_slice %arg9[%dma_start3A_150] : memref<3328xf32, #tpu.memory_space<vmem>> -> memref<128xf32, #tpu.memory_space<vmem>>
    %dma_start3A_152 = arith.constant 1408 : i32
    %dma_start3A_153 = tpu.memref_slice %arg8[%dma_start3A_152] : memref<3328xi32, #tpu.memory_space<vmem>> -> memref<128xi32, #tpu.memory_space<vmem>>
    %dma_start3A_154 = arith.constant 0 : i32
    %dma_start3A_155 = tpu.memref_slice %arg5[%dma_start3A_154] : memref<100352xf32, #tpu.memory_space<vmem_shared>> -> memref<100352xf32, #tpu.memory_space<vmem_shared>>
    tpu.enqueue_indirect_dma source(%dma_start3A_155 : memref<100352xf32, #tpu.memory_space<vmem_shared>>) target(%dma_start3A_151 : memref<128xf32, #tpu.memory_space<vmem>>) offsets(%dma_start3A_153 : memref<128xi32, #tpu.memory_space<vmem>>) semaphore(%arg11 : memref<!tpu.dma_semaphore, #tpu.memory_space<semaphore_mem>>)
    %dma_start3A_156 = arith.constant 1536 : i32
    %dma_start3A_157 = tpu.memref_slice %arg9[%dma_start3A_156] : memref<3328xf32, #tpu.memory_space<vmem>> -> memref<128xf32, #tpu.memory_space<vmem>>
    %dma_start3A_158 = arith.constant 1536 : i32
    %dma_start3A_159 = tpu.memref_slice %arg8[%dma_start3A_158] : memref<3328xi32, #tpu.memory_space<vmem>> -> memref<128xi32, #tpu.memory_space<vmem>>
    %dma_start3A_160 = arith.constant 0 : i32
    %dma_start3A_161 = tpu.memref_slice %arg5[%dma_start3A_160] : memref<100352xf32, #tpu.memory_space<vmem_shared>> -> memref<100352xf32, #tpu.memory_space<vmem_shared>>
    tpu.enqueue_indirect_dma source(%dma_start3A_161 : memref<100352xf32, #tpu.memory_space<vmem_shared>>) target(%dma_start3A_157 : memref<128xf32, #tpu.memory_space<vmem>>) offsets(%dma_start3A_159 : memref<128xi32, #tpu.memory_space<vmem>>) semaphore(%arg11 : memref<!tpu.dma_semaphore, #tpu.memory_space<semaphore_mem>>)
    %dma_start3A_162 = arith.constant 1664 : i32
    %dma_start3A_163 = tpu.memref_slice %arg9[%dma_start3A_162] : memref<3328xf32, #tpu.memory_space<vmem>> -> memref<128xf32, #tpu.memory_space<vmem>>
    %dma_start3A_164 = arith.constant 1664 : i32
    %dma_start3A_165 = tpu.memref_slice %arg8[%dma_start3A_164] : memref<3328xi32, #tpu.memory_space<vmem>> -> memref<128xi32, #tpu.memory_space<vmem>>
    %dma_start3A_166 = arith.constant 0 : i32
    %dma_start3A_167 = tpu.memref_slice %arg5[%dma_start3A_166] : memref<100352xf32, #tpu.memory_space<vmem_shared>> -> memref<100352xf32, #tpu.memory_space<vmem_shared>>
    tpu.enqueue_indirect_dma source(%dma_start3A_167 : memref<100352xf32, #tpu.memory_space<vmem_shared>>) target(%dma_start3A_163 : memref<128xf32, #tpu.memory_space<vmem>>) offsets(%dma_start3A_165 : memref<128xi32, #tpu.memory_space<vmem>>) semaphore(%arg11 : memref<!tpu.dma_semaphore, #tpu.memory_space<semaphore_mem>>)
    %dma_start3A_168 = arith.constant 1792 : i32
    %dma_start3A_169 = tpu.memref_slice %arg9[%dma_start3A_168] : memref<3328xf32, #tpu.memory_space<vmem>> -> memref<128xf32, #tpu.memory_space<vmem>>
    %dma_start3A_170 = arith.constant 1792 : i32
    %dma_start3A_171 = tpu.memref_slice %arg8[%dma_start3A_170] : memref<3328xi32, #tpu.memory_space<vmem>> -> memref<128xi32, #tpu.memory_space<vmem>>
    %dma_start3A_172 = arith.constant 0 : i32
    %dma_start3A_173 = tpu.memref_slice %arg5[%dma_start3A_172] : memref<100352xf32, #tpu.memory_space<vmem_shared>> -> memref<100352xf32, #tpu.memory_space<vmem_shared>>
    tpu.enqueue_indirect_dma source(%dma_start3A_173 : memref<100352xf32, #tpu.memory_space<vmem_shared>>) target(%dma_start3A_169 : memref<128xf32, #tpu.memory_space<vmem>>) offsets(%dma_start3A_171 : memref<128xi32, #tpu.memory_space<vmem>>) semaphore(%arg11 : memref<!tpu.dma_semaphore, #tpu.memory_space<semaphore_mem>>)
    %dma_start3A_174 = arith.constant 1920 : i32
    %dma_start3A_175 = tpu.memref_slice %arg9[%dma_start3A_174] : memref<3328xf32, #tpu.memory_space<vmem>> -> memref<128xf32, #tpu.memory_space<vmem>>
    %dma_start3A_176 = arith.constant 1920 : i32
    %dma_start3A_177 = tpu.memref_slice %arg8[%dma_start3A_176] : memref<3328xi32, #tpu.memory_space<vmem>> -> memref<128xi32, #tpu.memory_space<vmem>>
    %dma_start3A_178 = arith.constant 0 : i32
    %dma_start3A_179 = tpu.memref_slice %arg5[%dma_start3A_178] : memref<100352xf32, #tpu.memory_space<vmem_shared>> -> memref<100352xf32, #tpu.memory_space<vmem_shared>>
    tpu.enqueue_indirect_dma source(%dma_start3A_179 : memref<100352xf32, #tpu.memory_space<vmem_shared>>) target(%dma_start3A_175 : memref<128xf32, #tpu.memory_space<vmem>>) offsets(%dma_start3A_177 : memref<128xi32, #tpu.memory_space<vmem>>) semaphore(%arg11 : memref<!tpu.dma_semaphore, #tpu.memory_space<semaphore_mem>>)
    %dma_start3A_180 = arith.constant 2048 : i32
    %dma_start3A_181 = tpu.memref_slice %arg9[%dma_start3A_180] : memref<3328xf32, #tpu.memory_space<vmem>> -> memref<128xf32, #tpu.memory_space<vmem>>
    %dma_start3A_182 = arith.constant 2048 : i32
    %dma_start3A_183 = tpu.memref_slice %arg8[%dma_start3A_182] : memref<3328xi32, #tpu.memory_space<vmem>> -> memref<128xi32, #tpu.memory_space<vmem>>
    %dma_start3A_184 = arith.constant 0 : i32
    %dma_start3A_185 = tpu.memref_slice %arg5[%dma_start3A_184] : memref<100352xf32, #tpu.memory_space<vmem_shared>> -> memref<100352xf32, #tpu.memory_space<vmem_shared>>
    tpu.enqueue_indirect_dma source(%dma_start3A_185 : memref<100352xf32, #tpu.memory_space<vmem_shared>>) target(%dma_start3A_181 : memref<128xf32, #tpu.memory_space<vmem>>) offsets(%dma_start3A_183 : memref<128xi32, #tpu.memory_space<vmem>>) semaphore(%arg11 : memref<!tpu.dma_semaphore, #tpu.memory_space<semaphore_mem>>)
    %dma_start3A_186 = arith.constant 2176 : i32
    %dma_start3A_187 = tpu.memref_slice %arg9[%dma_start3A_186] : memref<3328xf32, #tpu.memory_space<vmem>> -> memref<128xf32, #tpu.memory_space<vmem>>
    %dma_start3A_188 = arith.constant 2176 : i32
    %dma_start3A_189 = tpu.memref_slice %arg8[%dma_start3A_188] : memref<3328xi32, #tpu.memory_space<vmem>> -> memref<128xi32, #tpu.memory_space<vmem>>
    %dma_start3A_190 = arith.constant 0 : i32
    %dma_start3A_191 = tpu.memref_slice %arg5[%dma_start3A_190] : memref<100352xf32, #tpu.memory_space<vmem_shared>> -> memref<100352xf32, #tpu.memory_space<vmem_shared>>
    tpu.enqueue_indirect_dma source(%dma_start3A_191 : memref<100352xf32, #tpu.memory_space<vmem_shared>>) target(%dma_start3A_187 : memref<128xf32, #tpu.memory_space<vmem>>) offsets(%dma_start3A_189 : memref<128xi32, #tpu.memory_space<vmem>>) semaphore(%arg11 : memref<!tpu.dma_semaphore, #tpu.memory_space<semaphore_mem>>)
    %dma_start3A_192 = arith.constant 2304 : i32
    %dma_start3A_193 = tpu.memref_slice %arg9[%dma_start3A_192] : memref<3328xf32, #tpu.memory_space<vmem>> -> memref<128xf32, #tpu.memory_space<vmem>>
    %dma_start3A_194 = arith.constant 2304 : i32
    %dma_start3A_195 = tpu.memref_slice %arg8[%dma_start3A_194] : memref<3328xi32, #tpu.memory_space<vmem>> -> memref<128xi32, #tpu.memory_space<vmem>>
    %dma_start3A_196 = arith.constant 0 : i32
    %dma_start3A_197 = tpu.memref_slice %arg5[%dma_start3A_196] : memref<100352xf32, #tpu.memory_space<vmem_shared>> -> memref<100352xf32, #tpu.memory_space<vmem_shared>>
    tpu.enqueue_indirect_dma source(%dma_start3A_197 : memref<100352xf32, #tpu.memory_space<vmem_shared>>) target(%dma_start3A_193 : memref<128xf32, #tpu.memory_space<vmem>>) offsets(%dma_start3A_195 : memref<128xi32, #tpu.memory_space<vmem>>) semaphore(%arg11 : memref<!tpu.dma_semaphore, #tpu.memory_space<semaphore_mem>>)
    %dma_start3A_198 = arith.constant 2432 : i32
    %dma_start3A_199 = tpu.memref_slice %arg9[%dma_start3A_198] : memref<3328xf32, #tpu.memory_space<vmem>> -> memref<128xf32, #tpu.memory_space<vmem>>
    %dma_start3A_200 = arith.constant 2432 : i32
    %dma_start3A_201 = tpu.memref_slice %arg8[%dma_start3A_200] : memref<3328xi32, #tpu.memory_space<vmem>> -> memref<128xi32, #tpu.memory_space<vmem>>
    %dma_start3A_202 = arith.constant 0 : i32
    %dma_start3A_203 = tpu.memref_slice %arg5[%dma_start3A_202] : memref<100352xf32, #tpu.memory_space<vmem_shared>> -> memref<100352xf32, #tpu.memory_space<vmem_shared>>
    tpu.enqueue_indirect_dma source(%dma_start3A_203 : memref<100352xf32, #tpu.memory_space<vmem_shared>>) target(%dma_start3A_199 : memref<128xf32, #tpu.memory_space<vmem>>) offsets(%dma_start3A_201 : memref<128xi32, #tpu.memory_space<vmem>>) semaphore(%arg11 : memref<!tpu.dma_semaphore, #tpu.memory_space<semaphore_mem>>)
    %dma_start3A_204 = arith.constant 2560 : i32
    %dma_start3A_205 = tpu.memref_slice %arg9[%dma_start3A_204] : memref<3328xf32, #tpu.memory_space<vmem>> -> memref<128xf32, #tpu.memory_space<vmem>>
    %dma_start3A_206 = arith.constant 2560 : i32
    %dma_start3A_207 = tpu.memref_slice %arg8[%dma_start3A_206] : memref<3328xi32, #tpu.memory_space<vmem>> -> memref<128xi32, #tpu.memory_space<vmem>>
    %dma_start3A_208 = arith.constant 0 : i32
    %dma_start3A_209 = tpu.memref_slice %arg5[%dma_start3A_208] : memref<100352xf32, #tpu.memory_space<vmem_shared>> -> memref<100352xf32, #tpu.memory_space<vmem_shared>>
    tpu.enqueue_indirect_dma source(%dma_start3A_209 : memref<100352xf32, #tpu.memory_space<vmem_shared>>) target(%dma_start3A_205 : memref<128xf32, #tpu.memory_space<vmem>>) offsets(%dma_start3A_207 : memref<128xi32, #tpu.memory_space<vmem>>) semaphore(%arg11 : memref<!tpu.dma_semaphore, #tpu.memory_space<semaphore_mem>>)
    %dma_start3A_210 = arith.constant 2688 : i32
    %dma_start3A_211 = tpu.memref_slice %arg9[%dma_start3A_210] : memref<3328xf32, #tpu.memory_space<vmem>> -> memref<128xf32, #tpu.memory_space<vmem>>
    %dma_start3A_212 = arith.constant 2688 : i32
    %dma_start3A_213 = tpu.memref_slice %arg8[%dma_start3A_212] : memref<3328xi32, #tpu.memory_space<vmem>> -> memref<128xi32, #tpu.memory_space<vmem>>
    %dma_start3A_214 = arith.constant 0 : i32
    %dma_start3A_215 = tpu.memref_slice %arg5[%dma_start3A_214] : memref<100352xf32, #tpu.memory_space<vmem_shared>> -> memref<100352xf32, #tpu.memory_space<vmem_shared>>
    tpu.enqueue_indirect_dma source(%dma_start3A_215 : memref<100352xf32, #tpu.memory_space<vmem_shared>>) target(%dma_start3A_211 : memref<128xf32, #tpu.memory_space<vmem>>) offsets(%dma_start3A_213 : memref<128xi32, #tpu.memory_space<vmem>>) semaphore(%arg11 : memref<!tpu.dma_semaphore, #tpu.memory_space<semaphore_mem>>)
    %dma_start3A_216 = arith.constant 2816 : i32
    %dma_start3A_217 = tpu.memref_slice %arg9[%dma_start3A_216] : memref<3328xf32, #tpu.memory_space<vmem>> -> memref<128xf32, #tpu.memory_space<vmem>>
    %dma_start3A_218 = arith.constant 2816 : i32
    %dma_start3A_219 = tpu.memref_slice %arg8[%dma_start3A_218] : memref<3328xi32, #tpu.memory_space<vmem>> -> memref<128xi32, #tpu.memory_space<vmem>>
    %dma_start3A_220 = arith.constant 0 : i32
    %dma_start3A_221 = tpu.memref_slice %arg5[%dma_start3A_220] : memref<100352xf32, #tpu.memory_space<vmem_shared>> -> memref<100352xf32, #tpu.memory_space<vmem_shared>>
    tpu.enqueue_indirect_dma source(%dma_start3A_221 : memref<100352xf32, #tpu.memory_space<vmem_shared>>) target(%dma_start3A_217 : memref<128xf32, #tpu.memory_space<vmem>>) offsets(%dma_start3A_219 : memref<128xi32, #tpu.memory_space<vmem>>) semaphore(%arg11 : memref<!tpu.dma_semaphore, #tpu.memory_space<semaphore_mem>>)
    %dma_start3A_222 = arith.constant 2944 : i32
    %dma_start3A_223 = tpu.memref_slice %arg9[%dma_start3A_222] : memref<3328xf32, #tpu.memory_space<vmem>> -> memref<128xf32, #tpu.memory_space<vmem>>
    %dma_start3A_224 = arith.constant 2944 : i32
    %dma_start3A_225 = tpu.memref_slice %arg8[%dma_start3A_224] : memref<3328xi32, #tpu.memory_space<vmem>> -> memref<128xi32, #tpu.memory_space<vmem>>
    %dma_start3A_226 = arith.constant 0 : i32
    %dma_start3A_227 = tpu.memref_slice %arg5[%dma_start3A_226] : memref<100352xf32, #tpu.memory_space<vmem_shared>> -> memref<100352xf32, #tpu.memory_space<vmem_shared>>
    tpu.enqueue_indirect_dma source(%dma_start3A_227 : memref<100352xf32, #tpu.memory_space<vmem_shared>>) target(%dma_start3A_223 : memref<128xf32, #tpu.memory_space<vmem>>) offsets(%dma_start3A_225 : memref<128xi32, #tpu.memory_space<vmem>>) semaphore(%arg11 : memref<!tpu.dma_semaphore, #tpu.memory_space<semaphore_mem>>)
    %dma_start3A_228 = arith.constant 3072 : i32
    %dma_start3A_229 = tpu.memref_slice %arg9[%dma_start3A_228] : memref<3328xf32, #tpu.memory_space<vmem>> -> memref<128xf32, #tpu.memory_space<vmem>>
    %dma_start3A_230 = arith.constant 3072 : i32
    %dma_start3A_231 = tpu.memref_slice %arg8[%dma_start3A_230] : memref<3328xi32, #tpu.memory_space<vmem>> -> memref<128xi32, #tpu.memory_space<vmem>>
    %dma_start3A_232 = arith.constant 0 : i32
    %dma_start3A_233 = tpu.memref_slice %arg5[%dma_start3A_232] : memref<100352xf32, #tpu.memory_space<vmem_shared>> -> memref<100352xf32, #tpu.memory_space<vmem_shared>>
    tpu.enqueue_indirect_dma source(%dma_start3A_233 : memref<100352xf32, #tpu.memory_space<vmem_shared>>) target(%dma_start3A_229 : memref<128xf32, #tpu.memory_space<vmem>>) offsets(%dma_start3A_231 : memref<128xi32, #tpu.memory_space<vmem>>) semaphore(%arg11 : memref<!tpu.dma_semaphore, #tpu.memory_space<semaphore_mem>>)
    %dma_start3A_234 = arith.constant 3200 : i32
    %dma_start3A_235 = tpu.memref_slice %arg9[%dma_start3A_234] : memref<3328xf32, #tpu.memory_space<vmem>> -> memref<128xf32, #tpu.memory_space<vmem>>
    %dma_start3A_236 = arith.constant 3200 : i32
    %dma_start3A_237 = tpu.memref_slice %arg8[%dma_start3A_236] : memref<3328xi32, #tpu.memory_space<vmem>> -> memref<128xi32, #tpu.memory_space<vmem>>
    %dma_start3A_238 = arith.constant 0 : i32
    %dma_start3A_239 = tpu.memref_slice %arg5[%dma_start3A_238] : memref<100352xf32, #tpu.memory_space<vmem_shared>> -> memref<100352xf32, #tpu.memory_space<vmem_shared>>
    tpu.enqueue_indirect_dma source(%dma_start3A_239 : memref<100352xf32, #tpu.memory_space<vmem_shared>>) target(%dma_start3A_235 : memref<128xf32, #tpu.memory_space<vmem>>) offsets(%dma_start3A_237 : memref<128xi32, #tpu.memory_space<vmem>>) semaphore(%arg11 : memref<!tpu.dma_semaphore, #tpu.memory_space<semaphore_mem>>)
    %dma_wait3A_240 = arith.constant 0 : i32
    %dma_wait3A_241 = tpu.memref_slice %arg9[%dma_wait3A_240] : memref<3328xf32, #tpu.memory_space<vmem>> -> memref<128xf32, #tpu.memory_space<vmem>>
    %dma_wait3A_242 = arith.constant 0 : i32
    %dma_wait3A_243 = tpu.memref_slice %arg8[%dma_wait3A_242] : memref<3328xi32, #tpu.memory_space<vmem>> -> memref<128xi32, #tpu.memory_space<vmem>>
    %dma_wait3A_244 = arith.constant 0 : i32
    %dma_wait3A_245 = tpu.memref_slice %arg5[%dma_wait3A_244] : memref<100352xf32, #tpu.memory_space<vmem_shared>> -> memref<100352xf32, #tpu.memory_space<vmem_shared>>
    tpu.wait_indirect_dma semaphore(%arg11 : memref<!tpu.dma_semaphore, #tpu.memory_space<semaphore_mem>>) src(%dma_wait3A_245 : memref<100352xf32, #tpu.memory_space<vmem_shared>>) dst(%dma_wait3A_241 : memref<128xf32, #tpu.memory_space<vmem>>)
    %dma_wait3A_246 = arith.constant 128 : i32
    %dma_wait3A_247 = tpu.memref_slice %arg9[%dma_wait3A_246] : memref<3328xf32, #tpu.memory_space<vmem>> -> memref<128xf32, #tpu.memory_space<vmem>>
    %dma_wait3A_248 = arith.constant 128 : i32
    %dma_wait3A_249 = tpu.memref_slice %arg8[%dma_wait3A_248] : memref<3328xi32, #tpu.memory_space<vmem>> -> memref<128xi32, #tpu.memory_space<vmem>>
    %dma_wait3A_250 = arith.constant 0 : i32
    %dma_wait3A_251 = tpu.memref_slice %arg5[%dma_wait3A_250] : memref<100352xf32, #tpu.memory_space<vmem_shared>> -> memref<100352xf32, #tpu.memory_space<vmem_shared>>
    tpu.wait_indirect_dma semaphore(%arg11 : memref<!tpu.dma_semaphore, #tpu.memory_space<semaphore_mem>>) src(%dma_wait3A_251 : memref<100352xf32, #tpu.memory_space<vmem_shared>>) dst(%dma_wait3A_247 : memref<128xf32, #tpu.memory_space<vmem>>)
    %dma_wait3A_252 = arith.constant 256 : i32
    %dma_wait3A_253 = tpu.memref_slice %arg9[%dma_wait3A_252] : memref<3328xf32, #tpu.memory_space<vmem>> -> memref<128xf32, #tpu.memory_space<vmem>>
    %dma_wait3A_254 = arith.constant 256 : i32
    %dma_wait3A_255 = tpu.memref_slice %arg8[%dma_wait3A_254] : memref<3328xi32, #tpu.memory_space<vmem>> -> memref<128xi32, #tpu.memory_space<vmem>>
    %dma_wait3A_256 = arith.constant 0 : i32
    %dma_wait3A_257 = tpu.memref_slice %arg5[%dma_wait3A_256] : memref<100352xf32, #tpu.memory_space<vmem_shared>> -> memref<100352xf32, #tpu.memory_space<vmem_shared>>
    tpu.wait_indirect_dma semaphore(%arg11 : memref<!tpu.dma_semaphore, #tpu.memory_space<semaphore_mem>>) src(%dma_wait3A_257 : memref<100352xf32, #tpu.memory_space<vmem_shared>>) dst(%dma_wait3A_253 : memref<128xf32, #tpu.memory_space<vmem>>)
    %dma_wait3A_258 = arith.constant 384 : i32
    %dma_wait3A_259 = tpu.memref_slice %arg9[%dma_wait3A_258] : memref<3328xf32, #tpu.memory_space<vmem>> -> memref<128xf32, #tpu.memory_space<vmem>>
    %dma_wait3A_260 = arith.constant 384 : i32
    %dma_wait3A_261 = tpu.memref_slice %arg8[%dma_wait3A_260] : memref<3328xi32, #tpu.memory_space<vmem>> -> memref<128xi32, #tpu.memory_space<vmem>>
    %dma_wait3A_262 = arith.constant 0 : i32
    %dma_wait3A_263 = tpu.memref_slice %arg5[%dma_wait3A_262] : memref<100352xf32, #tpu.memory_space<vmem_shared>> -> memref<100352xf32, #tpu.memory_space<vmem_shared>>
    tpu.wait_indirect_dma semaphore(%arg11 : memref<!tpu.dma_semaphore, #tpu.memory_space<semaphore_mem>>) src(%dma_wait3A_263 : memref<100352xf32, #tpu.memory_space<vmem_shared>>) dst(%dma_wait3A_259 : memref<128xf32, #tpu.memory_space<vmem>>)
    %dma_wait3A_264 = arith.constant 512 : i32
    %dma_wait3A_265 = tpu.memref_slice %arg9[%dma_wait3A_264] : memref<3328xf32, #tpu.memory_space<vmem>> -> memref<128xf32, #tpu.memory_space<vmem>>
    %dma_wait3A_266 = arith.constant 512 : i32
    %dma_wait3A_267 = tpu.memref_slice %arg8[%dma_wait3A_266] : memref<3328xi32, #tpu.memory_space<vmem>> -> memref<128xi32, #tpu.memory_space<vmem>>
    %dma_wait3A_268 = arith.constant 0 : i32
    %dma_wait3A_269 = tpu.memref_slice %arg5[%dma_wait3A_268] : memref<100352xf32, #tpu.memory_space<vmem_shared>> -> memref<100352xf32, #tpu.memory_space<vmem_shared>>
    tpu.wait_indirect_dma semaphore(%arg11 : memref<!tpu.dma_semaphore, #tpu.memory_space<semaphore_mem>>) src(%dma_wait3A_269 : memref<100352xf32, #tpu.memory_space<vmem_shared>>) dst(%dma_wait3A_265 : memref<128xf32, #tpu.memory_space<vmem>>)
    %dma_wait3A_270 = arith.constant 640 : i32
    %dma_wait3A_271 = tpu.memref_slice %arg9[%dma_wait3A_270] : memref<3328xf32, #tpu.memory_space<vmem>> -> memref<128xf32, #tpu.memory_space<vmem>>
    %dma_wait3A_272 = arith.constant 640 : i32
    %dma_wait3A_273 = tpu.memref_slice %arg8[%dma_wait3A_272] : memref<3328xi32, #tpu.memory_space<vmem>> -> memref<128xi32, #tpu.memory_space<vmem>>
    %dma_wait3A_274 = arith.constant 0 : i32
    %dma_wait3A_275 = tpu.memref_slice %arg5[%dma_wait3A_274] : memref<100352xf32, #tpu.memory_space<vmem_shared>> -> memref<100352xf32, #tpu.memory_space<vmem_shared>>
    tpu.wait_indirect_dma semaphore(%arg11 : memref<!tpu.dma_semaphore, #tpu.memory_space<semaphore_mem>>) src(%dma_wait3A_275 : memref<100352xf32, #tpu.memory_space<vmem_shared>>) dst(%dma_wait3A_271 : memref<128xf32, #tpu.memory_space<vmem>>)
    %dma_wait3A_276 = arith.constant 768 : i32
    %dma_wait3A_277 = tpu.memref_slice %arg9[%dma_wait3A_276] : memref<3328xf32, #tpu.memory_space<vmem>> -> memref<128xf32, #tpu.memory_space<vmem>>
    %dma_wait3A_278 = arith.constant 768 : i32
    %dma_wait3A_279 = tpu.memref_slice %arg8[%dma_wait3A_278] : memref<3328xi32, #tpu.memory_space<vmem>> -> memref<128xi32, #tpu.memory_space<vmem>>
    %dma_wait3A_280 = arith.constant 0 : i32
    %dma_wait3A_281 = tpu.memref_slice %arg5[%dma_wait3A_280] : memref<100352xf32, #tpu.memory_space<vmem_shared>> -> memref<100352xf32, #tpu.memory_space<vmem_shared>>
    tpu.wait_indirect_dma semaphore(%arg11 : memref<!tpu.dma_semaphore, #tpu.memory_space<semaphore_mem>>) src(%dma_wait3A_281 : memref<100352xf32, #tpu.memory_space<vmem_shared>>) dst(%dma_wait3A_277 : memref<128xf32, #tpu.memory_space<vmem>>)
    %dma_wait3A_282 = arith.constant 896 : i32
    %dma_wait3A_283 = tpu.memref_slice %arg9[%dma_wait3A_282] : memref<3328xf32, #tpu.memory_space<vmem>> -> memref<128xf32, #tpu.memory_space<vmem>>
    %dma_wait3A_284 = arith.constant 896 : i32
    %dma_wait3A_285 = tpu.memref_slice %arg8[%dma_wait3A_284] : memref<3328xi32, #tpu.memory_space<vmem>> -> memref<128xi32, #tpu.memory_space<vmem>>
    %dma_wait3A_286 = arith.constant 0 : i32
    %dma_wait3A_287 = tpu.memref_slice %arg5[%dma_wait3A_286] : memref<100352xf32, #tpu.memory_space<vmem_shared>> -> memref<100352xf32, #tpu.memory_space<vmem_shared>>
    tpu.wait_indirect_dma semaphore(%arg11 : memref<!tpu.dma_semaphore, #tpu.memory_space<semaphore_mem>>) src(%dma_wait3A_287 : memref<100352xf32, #tpu.memory_space<vmem_shared>>) dst(%dma_wait3A_283 : memref<128xf32, #tpu.memory_space<vmem>>)
    %dma_wait3A_288 = arith.constant 1024 : i32
    %dma_wait3A_289 = tpu.memref_slice %arg9[%dma_wait3A_288] : memref<3328xf32, #tpu.memory_space<vmem>> -> memref<128xf32, #tpu.memory_space<vmem>>
    %dma_wait3A_290 = arith.constant 1024 : i32
    %dma_wait3A_291 = tpu.memref_slice %arg8[%dma_wait3A_290] : memref<3328xi32, #tpu.memory_space<vmem>> -> memref<128xi32, #tpu.memory_space<vmem>>
    %dma_wait3A_292 = arith.constant 0 : i32
    %dma_wait3A_293 = tpu.memref_slice %arg5[%dma_wait3A_292] : memref<100352xf32, #tpu.memory_space<vmem_shared>> -> memref<100352xf32, #tpu.memory_space<vmem_shared>>
    tpu.wait_indirect_dma semaphore(%arg11 : memref<!tpu.dma_semaphore, #tpu.memory_space<semaphore_mem>>) src(%dma_wait3A_293 : memref<100352xf32, #tpu.memory_space<vmem_shared>>) dst(%dma_wait3A_289 : memref<128xf32, #tpu.memory_space<vmem>>)
    %dma_wait3A_294 = arith.constant 1152 : i32
    %dma_wait3A_295 = tpu.memref_slice %arg9[%dma_wait3A_294] : memref<3328xf32, #tpu.memory_space<vmem>> -> memref<128xf32, #tpu.memory_space<vmem>>
    %dma_wait3A_296 = arith.constant 1152 : i32
    %dma_wait3A_297 = tpu.memref_slice %arg8[%dma_wait3A_296] : memref<3328xi32, #tpu.memory_space<vmem>> -> memref<128xi32, #tpu.memory_space<vmem>>
    %dma_wait3A_298 = arith.constant 0 : i32
    %dma_wait3A_299 = tpu.memref_slice %arg5[%dma_wait3A_298] : memref<100352xf32, #tpu.memory_space<vmem_shared>> -> memref<100352xf32, #tpu.memory_space<vmem_shared>>
    tpu.wait_indirect_dma semaphore(%arg11 : memref<!tpu.dma_semaphore, #tpu.memory_space<semaphore_mem>>) src(%dma_wait3A_299 : memref<100352xf32, #tpu.memory_space<vmem_shared>>) dst(%dma_wait3A_295 : memref<128xf32, #tpu.memory_space<vmem>>)
    %dma_wait3A_300 = arith.constant 1280 : i32
    %dma_wait3A_301 = tpu.memref_slice %arg9[%dma_wait3A_300] : memref<3328xf32, #tpu.memory_space<vmem>> -> memref<128xf32, #tpu.memory_space<vmem>>
    %dma_wait3A_302 = arith.constant 1280 : i32
    %dma_wait3A_303 = tpu.memref_slice %arg8[%dma_wait3A_302] : memref<3328xi32, #tpu.memory_space<vmem>> -> memref<128xi32, #tpu.memory_space<vmem>>
    %dma_wait3A_304 = arith.constant 0 : i32
    %dma_wait3A_305 = tpu.memref_slice %arg5[%dma_wait3A_304] : memref<100352xf32, #tpu.memory_space<vmem_shared>> -> memref<100352xf32, #tpu.memory_space<vmem_shared>>
    tpu.wait_indirect_dma semaphore(%arg11 : memref<!tpu.dma_semaphore, #tpu.memory_space<semaphore_mem>>) src(%dma_wait3A_305 : memref<100352xf32, #tpu.memory_space<vmem_shared>>) dst(%dma_wait3A_301 : memref<128xf32, #tpu.memory_space<vmem>>)
    %dma_wait3A_306 = arith.constant 1408 : i32
    %dma_wait3A_307 = tpu.memref_slice %arg9[%dma_wait3A_306] : memref<3328xf32, #tpu.memory_space<vmem>> -> memref<128xf32, #tpu.memory_space<vmem>>
    %dma_wait3A_308 = arith.constant 1408 : i32
    %dma_wait3A_309 = tpu.memref_slice %arg8[%dma_wait3A_308] : memref<3328xi32, #tpu.memory_space<vmem>> -> memref<128xi32, #tpu.memory_space<vmem>>
    %dma_wait3A_310 = arith.constant 0 : i32
    %dma_wait3A_311 = tpu.memref_slice %arg5[%dma_wait3A_310] : memref<100352xf32, #tpu.memory_space<vmem_shared>> -> memref<100352xf32, #tpu.memory_space<vmem_shared>>
    tpu.wait_indirect_dma semaphore(%arg11 : memref<!tpu.dma_semaphore, #tpu.memory_space<semaphore_mem>>) src(%dma_wait3A_311 : memref<100352xf32, #tpu.memory_space<vmem_shared>>) dst(%dma_wait3A_307 : memref<128xf32, #tpu.memory_space<vmem>>)
    %dma_wait3A_312 = arith.constant 1536 : i32
    %dma_wait3A_313 = tpu.memref_slice %arg9[%dma_wait3A_312] : memref<3328xf32, #tpu.memory_space<vmem>> -> memref<128xf32, #tpu.memory_space<vmem>>
    %dma_wait3A_314 = arith.constant 1536 : i32
    %dma_wait3A_315 = tpu.memref_slice %arg8[%dma_wait3A_314] : memref<3328xi32, #tpu.memory_space<vmem>> -> memref<128xi32, #tpu.memory_space<vmem>>
    %dma_wait3A_316 = arith.constant 0 : i32
    %dma_wait3A_317 = tpu.memref_slice %arg5[%dma_wait3A_316] : memref<100352xf32, #tpu.memory_space<vmem_shared>> -> memref<100352xf32, #tpu.memory_space<vmem_shared>>
    tpu.wait_indirect_dma semaphore(%arg11 : memref<!tpu.dma_semaphore, #tpu.memory_space<semaphore_mem>>) src(%dma_wait3A_317 : memref<100352xf32, #tpu.memory_space<vmem_shared>>) dst(%dma_wait3A_313 : memref<128xf32, #tpu.memory_space<vmem>>)
    %dma_wait3A_318 = arith.constant 1664 : i32
    %dma_wait3A_319 = tpu.memref_slice %arg9[%dma_wait3A_318] : memref<3328xf32, #tpu.memory_space<vmem>> -> memref<128xf32, #tpu.memory_space<vmem>>
    %dma_wait3A_320 = arith.constant 1664 : i32
    %dma_wait3A_321 = tpu.memref_slice %arg8[%dma_wait3A_320] : memref<3328xi32, #tpu.memory_space<vmem>> -> memref<128xi32, #tpu.memory_space<vmem>>
    %dma_wait3A_322 = arith.constant 0 : i32
    %dma_wait3A_323 = tpu.memref_slice %arg5[%dma_wait3A_322] : memref<100352xf32, #tpu.memory_space<vmem_shared>> -> memref<100352xf32, #tpu.memory_space<vmem_shared>>
    tpu.wait_indirect_dma semaphore(%arg11 : memref<!tpu.dma_semaphore, #tpu.memory_space<semaphore_mem>>) src(%dma_wait3A_323 : memref<100352xf32, #tpu.memory_space<vmem_shared>>) dst(%dma_wait3A_319 : memref<128xf32, #tpu.memory_space<vmem>>)
    %dma_wait3A_324 = arith.constant 1792 : i32
    %dma_wait3A_325 = tpu.memref_slice %arg9[%dma_wait3A_324] : memref<3328xf32, #tpu.memory_space<vmem>> -> memref<128xf32, #tpu.memory_space<vmem>>
    %dma_wait3A_326 = arith.constant 1792 : i32
    %dma_wait3A_327 = tpu.memref_slice %arg8[%dma_wait3A_326] : memref<3328xi32, #tpu.memory_space<vmem>> -> memref<128xi32, #tpu.memory_space<vmem>>
    %dma_wait3A_328 = arith.constant 0 : i32
    %dma_wait3A_329 = tpu.memref_slice %arg5[%dma_wait3A_328] : memref<100352xf32, #tpu.memory_space<vmem_shared>> -> memref<100352xf32, #tpu.memory_space<vmem_shared>>
    tpu.wait_indirect_dma semaphore(%arg11 : memref<!tpu.dma_semaphore, #tpu.memory_space<semaphore_mem>>) src(%dma_wait3A_329 : memref<100352xf32, #tpu.memory_space<vmem_shared>>) dst(%dma_wait3A_325 : memref<128xf32, #tpu.memory_space<vmem>>)
    %dma_wait3A_330 = arith.constant 1920 : i32
    %dma_wait3A_331 = tpu.memref_slice %arg9[%dma_wait3A_330] : memref<3328xf32, #tpu.memory_space<vmem>> -> memref<128xf32, #tpu.memory_space<vmem>>
    %dma_wait3A_332 = arith.constant 1920 : i32
    %dma_wait3A_333 = tpu.memref_slice %arg8[%dma_wait3A_332] : memref<3328xi32, #tpu.memory_space<vmem>> -> memref<128xi32, #tpu.memory_space<vmem>>
    %dma_wait3A_334 = arith.constant 0 : i32
    %dma_wait3A_335 = tpu.memref_slice %arg5[%dma_wait3A_334] : memref<100352xf32, #tpu.memory_space<vmem_shared>> -> memref<100352xf32, #tpu.memory_space<vmem_shared>>
    tpu.wait_indirect_dma semaphore(%arg11 : memref<!tpu.dma_semaphore, #tpu.memory_space<semaphore_mem>>) src(%dma_wait3A_335 : memref<100352xf32, #tpu.memory_space<vmem_shared>>) dst(%dma_wait3A_331 : memref<128xf32, #tpu.memory_space<vmem>>)
    %dma_wait3A_336 = arith.constant 2048 : i32
    %dma_wait3A_337 = tpu.memref_slice %arg9[%dma_wait3A_336] : memref<3328xf32, #tpu.memory_space<vmem>> -> memref<128xf32, #tpu.memory_space<vmem>>
    %dma_wait3A_338 = arith.constant 2048 : i32
    %dma_wait3A_339 = tpu.memref_slice %arg8[%dma_wait3A_338] : memref<3328xi32, #tpu.memory_space<vmem>> -> memref<128xi32, #tpu.memory_space<vmem>>
    %dma_wait3A_340 = arith.constant 0 : i32
    %dma_wait3A_341 = tpu.memref_slice %arg5[%dma_wait3A_340] : memref<100352xf32, #tpu.memory_space<vmem_shared>> -> memref<100352xf32, #tpu.memory_space<vmem_shared>>
    tpu.wait_indirect_dma semaphore(%arg11 : memref<!tpu.dma_semaphore, #tpu.memory_space<semaphore_mem>>) src(%dma_wait3A_341 : memref<100352xf32, #tpu.memory_space<vmem_shared>>) dst(%dma_wait3A_337 : memref<128xf32, #tpu.memory_space<vmem>>)
    %dma_wait3A_342 = arith.constant 2176 : i32
    %dma_wait3A_343 = tpu.memref_slice %arg9[%dma_wait3A_342] : memref<3328xf32, #tpu.memory_space<vmem>> -> memref<128xf32, #tpu.memory_space<vmem>>
    %dma_wait3A_344 = arith.constant 2176 : i32
    %dma_wait3A_345 = tpu.memref_slice %arg8[%dma_wait3A_344] : memref<3328xi32, #tpu.memory_space<vmem>> -> memref<128xi32, #tpu.memory_space<vmem>>
    %dma_wait3A_346 = arith.constant 0 : i32
    %dma_wait3A_347 = tpu.memref_slice %arg5[%dma_wait3A_346] : memref<100352xf32, #tpu.memory_space<vmem_shared>> -> memref<100352xf32, #tpu.memory_space<vmem_shared>>
    tpu.wait_indirect_dma semaphore(%arg11 : memref<!tpu.dma_semaphore, #tpu.memory_space<semaphore_mem>>) src(%dma_wait3A_347 : memref<100352xf32, #tpu.memory_space<vmem_shared>>) dst(%dma_wait3A_343 : memref<128xf32, #tpu.memory_space<vmem>>)
    %dma_wait3A_348 = arith.constant 2304 : i32
    %dma_wait3A_349 = tpu.memref_slice %arg9[%dma_wait3A_348] : memref<3328xf32, #tpu.memory_space<vmem>> -> memref<128xf32, #tpu.memory_space<vmem>>
    %dma_wait3A_350 = arith.constant 2304 : i32
    %dma_wait3A_351 = tpu.memref_slice %arg8[%dma_wait3A_350] : memref<3328xi32, #tpu.memory_space<vmem>> -> memref<128xi32, #tpu.memory_space<vmem>>
    %dma_wait3A_352 = arith.constant 0 : i32
    %dma_wait3A_353 = tpu.memref_slice %arg5[%dma_wait3A_352] : memref<100352xf32, #tpu.memory_space<vmem_shared>> -> memref<100352xf32, #tpu.memory_space<vmem_shared>>
    tpu.wait_indirect_dma semaphore(%arg11 : memref<!tpu.dma_semaphore, #tpu.memory_space<semaphore_mem>>) src(%dma_wait3A_353 : memref<100352xf32, #tpu.memory_space<vmem_shared>>) dst(%dma_wait3A_349 : memref<128xf32, #tpu.memory_space<vmem>>)
    %dma_wait3A_354 = arith.constant 2432 : i32
    %dma_wait3A_355 = tpu.memref_slice %arg9[%dma_wait3A_354] : memref<3328xf32, #tpu.memory_space<vmem>> -> memref<128xf32, #tpu.memory_space<vmem>>
    %dma_wait3A_356 = arith.constant 2432 : i32
    %dma_wait3A_357 = tpu.memref_slice %arg8[%dma_wait3A_356] : memref<3328xi32, #tpu.memory_space<vmem>> -> memref<128xi32, #tpu.memory_space<vmem>>
    %dma_wait3A_358 = arith.constant 0 : i32
    %dma_wait3A_359 = tpu.memref_slice %arg5[%dma_wait3A_358] : memref<100352xf32, #tpu.memory_space<vmem_shared>> -> memref<100352xf32, #tpu.memory_space<vmem_shared>>
    tpu.wait_indirect_dma semaphore(%arg11 : memref<!tpu.dma_semaphore, #tpu.memory_space<semaphore_mem>>) src(%dma_wait3A_359 : memref<100352xf32, #tpu.memory_space<vmem_shared>>) dst(%dma_wait3A_355 : memref<128xf32, #tpu.memory_space<vmem>>)
    %dma_wait3A_360 = arith.constant 2560 : i32
    %dma_wait3A_361 = tpu.memref_slice %arg9[%dma_wait3A_360] : memref<3328xf32, #tpu.memory_space<vmem>> -> memref<128xf32, #tpu.memory_space<vmem>>
    %dma_wait3A_362 = arith.constant 2560 : i32
    %dma_wait3A_363 = tpu.memref_slice %arg8[%dma_wait3A_362] : memref<3328xi32, #tpu.memory_space<vmem>> -> memref<128xi32, #tpu.memory_space<vmem>>
    %dma_wait3A_364 = arith.constant 0 : i32
    %dma_wait3A_365 = tpu.memref_slice %arg5[%dma_wait3A_364] : memref<100352xf32, #tpu.memory_space<vmem_shared>> -> memref<100352xf32, #tpu.memory_space<vmem_shared>>
    tpu.wait_indirect_dma semaphore(%arg11 : memref<!tpu.dma_semaphore, #tpu.memory_space<semaphore_mem>>) src(%dma_wait3A_365 : memref<100352xf32, #tpu.memory_space<vmem_shared>>) dst(%dma_wait3A_361 : memref<128xf32, #tpu.memory_space<vmem>>)
    %dma_wait3A_366 = arith.constant 2688 : i32
    %dma_wait3A_367 = tpu.memref_slice %arg9[%dma_wait3A_366] : memref<3328xf32, #tpu.memory_space<vmem>> -> memref<128xf32, #tpu.memory_space<vmem>>
    %dma_wait3A_368 = arith.constant 2688 : i32
    %dma_wait3A_369 = tpu.memref_slice %arg8[%dma_wait3A_368] : memref<3328xi32, #tpu.memory_space<vmem>> -> memref<128xi32, #tpu.memory_space<vmem>>
    %dma_wait3A_370 = arith.constant 0 : i32
    %dma_wait3A_371 = tpu.memref_slice %arg5[%dma_wait3A_370] : memref<100352xf32, #tpu.memory_space<vmem_shared>> -> memref<100352xf32, #tpu.memory_space<vmem_shared>>
    tpu.wait_indirect_dma semaphore(%arg11 : memref<!tpu.dma_semaphore, #tpu.memory_space<semaphore_mem>>) src(%dma_wait3A_371 : memref<100352xf32, #tpu.memory_space<vmem_shared>>) dst(%dma_wait3A_367 : memref<128xf32, #tpu.memory_space<vmem>>)
    %dma_wait3A_372 = arith.constant 2816 : i32
    %dma_wait3A_373 = tpu.memref_slice %arg9[%dma_wait3A_372] : memref<3328xf32, #tpu.memory_space<vmem>> -> memref<128xf32, #tpu.memory_space<vmem>>
    %dma_wait3A_374 = arith.constant 2816 : i32
    %dma_wait3A_375 = tpu.memref_slice %arg8[%dma_wait3A_374] : memref<3328xi32, #tpu.memory_space<vmem>> -> memref<128xi32, #tpu.memory_space<vmem>>
    %dma_wait3A_376 = arith.constant 0 : i32
    %dma_wait3A_377 = tpu.memref_slice %arg5[%dma_wait3A_376] : memref<100352xf32, #tpu.memory_space<vmem_shared>> -> memref<100352xf32, #tpu.memory_space<vmem_shared>>
    tpu.wait_indirect_dma semaphore(%arg11 : memref<!tpu.dma_semaphore, #tpu.memory_space<semaphore_mem>>) src(%dma_wait3A_377 : memref<100352xf32, #tpu.memory_space<vmem_shared>>) dst(%dma_wait3A_373 : memref<128xf32, #tpu.memory_space<vmem>>)
    %dma_wait3A_378 = arith.constant 2944 : i32
    %dma_wait3A_379 = tpu.memref_slice %arg9[%dma_wait3A_378] : memref<3328xf32, #tpu.memory_space<vmem>> -> memref<128xf32, #tpu.memory_space<vmem>>
    %dma_wait3A_380 = arith.constant 2944 : i32
    %dma_wait3A_381 = tpu.memref_slice %arg8[%dma_wait3A_380] : memref<3328xi32, #tpu.memory_space<vmem>> -> memref<128xi32, #tpu.memory_space<vmem>>
    %dma_wait3A_382 = arith.constant 0 : i32
    %dma_wait3A_383 = tpu.memref_slice %arg5[%dma_wait3A_382] : memref<100352xf32, #tpu.memory_space<vmem_shared>> -> memref<100352xf32, #tpu.memory_space<vmem_shared>>
    tpu.wait_indirect_dma semaphore(%arg11 : memref<!tpu.dma_semaphore, #tpu.memory_space<semaphore_mem>>) src(%dma_wait3A_383 : memref<100352xf32, #tpu.memory_space<vmem_shared>>) dst(%dma_wait3A_379 : memref<128xf32, #tpu.memory_space<vmem>>)
    %dma_wait3A_384 = arith.constant 3072 : i32
    %dma_wait3A_385 = tpu.memref_slice %arg9[%dma_wait3A_384] : memref<3328xf32, #tpu.memory_space<vmem>> -> memref<128xf32, #tpu.memory_space<vmem>>
    %dma_wait3A_386 = arith.constant 3072 : i32
    %dma_wait3A_387 = tpu.memref_slice %arg8[%dma_wait3A_386] : memref<3328xi32, #tpu.memory_space<vmem>> -> memref<128xi32, #tpu.memory_space<vmem>>
    %dma_wait3A_388 = arith.constant 0 : i32
    %dma_wait3A_389 = tpu.memref_slice %arg5[%dma_wait3A_388] : memref<100352xf32, #tpu.memory_space<vmem_shared>> -> memref<100352xf32, #tpu.memory_space<vmem_shared>>
    tpu.wait_indirect_dma semaphore(%arg11 : memref<!tpu.dma_semaphore, #tpu.memory_space<semaphore_mem>>) src(%dma_wait3A_389 : memref<100352xf32, #tpu.memory_space<vmem_shared>>) dst(%dma_wait3A_385 : memref<128xf32, #tpu.memory_space<vmem>>)
    %dma_wait3A_390 = arith.constant 3200 : i32
    %dma_wait3A_391 = tpu.memref_slice %arg9[%dma_wait3A_390] : memref<3328xf32, #tpu.memory_space<vmem>> -> memref<128xf32, #tpu.memory_space<vmem>>
    %dma_wait3A_392 = arith.constant 3200 : i32
    %dma_wait3A_393 = tpu.memref_slice %arg8[%dma_wait3A_392] : memref<3328xi32, #tpu.memory_space<vmem>> -> memref<128xi32, #tpu.memory_space<vmem>>
    %dma_wait3A_394 = arith.constant 0 : i32
    %dma_wait3A_395 = tpu.memref_slice %arg5[%dma_wait3A_394] : memref<100352xf32, #tpu.memory_space<vmem_shared>> -> memref<100352xf32, #tpu.memory_space<vmem_shared>>
    tpu.wait_indirect_dma semaphore(%arg11 : memref<!tpu.dma_semaphore, #tpu.memory_space<semaphore_mem>>) src(%dma_wait3A_395 : memref<100352xf32, #tpu.memory_space<vmem_shared>>) dst(%dma_wait3A_391 : memref<128xf32, #tpu.memory_space<vmem>>)
    %scan3A_396 = arith.constant 0 : i32
    %scan3A_397 = arith.constant 0 : i32
    %scan3A_398 = arith.constant 8 : i32
    %scan3A_399 = arith.addi %scan3A_397, %scan3A_398 : i32
    %scan3A_400 = arith.constant 1 : i32
    scf.for %scan3A_404 = %scan3A_397 to %scan3A_399 step %scan3A_400  : i32 {
      %mul3A_405 = arith.constant 16 : i32
      %mul3A_406 = arith.muli %scan3A_404, %mul3A_405 : i32
      %get3A = arith.index_cast %mul3A_406 : i32 to index
      %get3A_407 = tpu.vector_load %arg9[%get3A] {strides = array<i32>} : memref<3328xf32, #tpu.memory_space<vmem>>, vector<16xf32>,
      %get3A_408 = vector.shape_cast %get3A_407 : vector<16xf32> to vector<16xf32>
      %add3A_409 = arith.constant 128 : i32
      %add3A_410 = arith.addi %add3A_409, %mul3A_406 : i32
      %get3A_411 = arith.index_cast %add3A_410 : i32 to index
      %get3A_412 = tpu.vector_load %arg9[%get3A_411] {strides = array<i32>} : memref<3328xf32, #tpu.memory_space<vmem>>, vector<16xf32>,
      %get3A_413 = vector.shape_cast %get3A_412 : vector<16xf32> to vector<16xf32>
      %add3A_414 = arith.addf %get3A_408, %get3A_413 : vector<16xf32>
      %add3A_415 = arith.constant 256 : i32
      %add3A_416 = arith.addi %add3A_415, %mul3A_406 : i32
      %get3A_417 = arith.index_cast %add3A_416 : i32 to index
      %get3A_418 = tpu.vector_load %arg9[%get3A_417] {strides = array<i32>} : memref<3328xf32, #tpu.memory_space<vmem>>, vector<16xf32>,
      %get3A_419 = vector.shape_cast %get3A_418 : vector<16xf32> to vector<16xf32>
      %add3A_420 = arith.addf %add3A_414, %get3A_419 : vector<16xf32>
      %add3A_421 = arith.constant 384 : i32
      %add3A_422 = arith.addi %add3A_421, %mul3A_406 : i32
      %get3A_423 = arith.index_cast %add3A_422 : i32 to index
      %get3A_424 = tpu.vector_load %arg9[%get3A_423] {strides = array<i32>} : memref<3328xf32, #tpu.memory_space<vmem>>, vector<16xf32>,
      %get3A_425 = vector.shape_cast %get3A_424 : vector<16xf32> to vector<16xf32>
      %add3A_426 = arith.addf %add3A_420, %get3A_425 : vector<16xf32>
      %add3A_427 = arith.constant 512 : i32
      %add3A_428 = arith.addi %add3A_427, %mul3A_406 : i32
      %get3A_429 = arith.index_cast %add3A_428 : i32 to index
      %get3A_430 = tpu.vector_load %arg9[%get3A_429] {strides = array<i32>} : memref<3328xf32, #tpu.memory_space<vmem>>, vector<16xf32>,
      %get3A_431 = vector.shape_cast %get3A_430 : vector<16xf32> to vector<16xf32>
      %add3A_432 = arith.addf %add3A_426, %get3A_431 : vector<16xf32>
      %add3A_433 = arith.constant 640 : i32
      %add3A_434 = arith.addi %add3A_433, %mul3A_406 : i32
      %get3A_435 = arith.index_cast %add3A_434 : i32 to index
      %get3A_436 = tpu.vector_load %arg9[%get3A_435] {strides = array<i32>} : memref<3328xf32, #tpu.memory_space<vmem>>, vector<16xf32>,
      %get3A_437 = vector.shape_cast %get3A_436 : vector<16xf32> to vector<16xf32>
      %add3A_438 = arith.addf %add3A_432, %get3A_437 : vector<16xf32>
      %add3A_439 = arith.constant 768 : i32
      %add3A_440 = arith.addi %add3A_439, %mul3A_406 : i32
      %get3A_441 = arith.index_cast %add3A_440 : i32 to index
      %get3A_442 = tpu.vector_load %arg9[%get3A_441] {strides = array<i32>} : memref<3328xf32, #tpu.memory_space<vmem>>, vector<16xf32>,
      %get3A_443 = vector.shape_cast %get3A_442 : vector<16xf32> to vector<16xf32>
      %add3A_444 = arith.addf %add3A_438, %get3A_443 : vector<16xf32>
      %add3A_445 = arith.constant 896 : i32
      %add3A_446 = arith.addi %add3A_445, %mul3A_406 : i32
      %get3A_447 = arith.index_cast %add3A_446 : i32 to index
      %get3A_448 = tpu.vector_load %arg9[%get3A_447] {strides = array<i32>} : memref<3328xf32, #tpu.memory_space<vmem>>, vector<16xf32>,
      %get3A_449 = vector.shape_cast %get3A_448 : vector<16xf32> to vector<16xf32>
      %add3A_450 = arith.addf %add3A_444, %get3A_449 : vector<16xf32>
      %add3A_451 = arith.constant 1024 : i32
      %add3A_452 = arith.addi %add3A_451, %mul3A_406 : i32
      %get3A_453 = arith.index_cast %add3A_452 : i32 to index
      %get3A_454 = tpu.vector_load %arg9[%get3A_453] {strides = array<i32>} : memref<3328xf32, #tpu.memory_space<vmem>>, vector<16xf32>,
      %get3A_455 = vector.shape_cast %get3A_454 : vector<16xf32> to vector<16xf32>
      %add3A_456 = arith.addf %add3A_450, %get3A_455 : vector<16xf32>
      %add3A_457 = arith.constant 1152 : i32
      %add3A_458 = arith.addi %add3A_457, %mul3A_406 : i32
      %get3A_459 = arith.index_cast %add3A_458 : i32 to index
      %get3A_460 = tpu.vector_load %arg9[%get3A_459] {strides = array<i32>} : memref<3328xf32, #tpu.memory_space<vmem>>, vector<16xf32>,
      %get3A_461 = vector.shape_cast %get3A_460 : vector<16xf32> to vector<16xf32>
      %add3A_462 = arith.addf %add3A_456, %get3A_461 : vector<16xf32>
      %add3A_463 = arith.constant 1280 : i32
      %add3A_464 = arith.addi %add3A_463, %mul3A_406 : i32
      %get3A_465 = arith.index_cast %add3A_464 : i32 to index
      %get3A_466 = tpu.vector_load %arg9[%get3A_465] {strides = array<i32>} : memref<3328xf32, #tpu.memory_space<vmem>>, vector<16xf32>,
      %get3A_467 = vector.shape_cast %get3A_466 : vector<16xf32> to vector<16xf32>
      %add3A_468 = arith.addf %add3A_462, %get3A_467 : vector<16xf32>
      %add3A_469 = arith.constant 1408 : i32
      %add3A_470 = arith.addi %add3A_469, %mul3A_406 : i32
      %get3A_471 = arith.index_cast %add3A_470 : i32 to index
      %get3A_472 = tpu.vector_load %arg9[%get3A_471] {strides = array<i32>} : memref<3328xf32, #tpu.memory_space<vmem>>, vector<16xf32>,
      %get3A_473 = vector.shape_cast %get3A_472 : vector<16xf32> to vector<16xf32>
      %add3A_474 = arith.addf %add3A_468, %get3A_473 : vector<16xf32>
      %add3A_475 = arith.constant 1536 : i32
      %add3A_476 = arith.addi %add3A_475, %mul3A_406 : i32
      %get3A_477 = arith.index_cast %add3A_476 : i32 to index
      %get3A_478 = tpu.vector_load %arg9[%get3A_477] {strides = array<i32>} : memref<3328xf32, #tpu.memory_space<vmem>>, vector<16xf32>,
      %get3A_479 = vector.shape_cast %get3A_478 : vector<16xf32> to vector<16xf32>
      %add3A_480 = arith.addf %add3A_474, %get3A_479 : vector<16xf32>
      %add3A_481 = arith.constant 1664 : i32
      %add3A_482 = arith.addi %add3A_481, %mul3A_406 : i32
      %get3A_483 = arith.index_cast %add3A_482 : i32 to index
      %get3A_484 = tpu.vector_load %arg9[%get3A_483] {strides = array<i32>} : memref<3328xf32, #tpu.memory_space<vmem>>, vector<16xf32>,
      %get3A_485 = vector.shape_cast %get3A_484 : vector<16xf32> to vector<16xf32>
      %add3A_486 = arith.addf %add3A_480, %get3A_485 : vector<16xf32>
      %add3A_487 = arith.constant 1792 : i32
      %add3A_488 = arith.addi %add3A_487, %mul3A_406 : i32
      %get3A_489 = arith.index_cast %add3A_488 : i32 to index
      %get3A_490 = tpu.vector_load %arg9[%get3A_489] {strides = array<i32>} : memref<3328xf32, #tpu.memory_space<vmem>>, vector<16xf32>,
      %get3A_491 = vector.shape_cast %get3A_490 : vector<16xf32> to vector<16xf32>
      %add3A_492 = arith.addf %add3A_486, %get3A_491 : vector<16xf32>
      %add3A_493 = arith.constant 1920 : i32
      %add3A_494 = arith.addi %add3A_493, %mul3A_406 : i32
      %get3A_495 = arith.index_cast %add3A_494 : i32 to index
      %get3A_496 = tpu.vector_load %arg9[%get3A_495] {strides = array<i32>} : memref<3328xf32, #tpu.memory_space<vmem>>, vector<16xf32>,
      %get3A_497 = vector.shape_cast %get3A_496 : vector<16xf32> to vector<16xf32>
      %add3A_498 = arith.addf %add3A_492, %get3A_497 : vector<16xf32>
      %add3A_499 = arith.constant 2048 : i32
      %add3A_500 = arith.addi %add3A_499, %mul3A_406 : i32
      %get3A_501 = arith.index_cast %add3A_500 : i32 to index
      %get3A_502 = tpu.vector_load %arg9[%get3A_501] {strides = array<i32>} : memref<3328xf32, #tpu.memory_space<vmem>>, vector<16xf32>,
      %get3A_503 = vector.shape_cast %get3A_502 : vector<16xf32> to vector<16xf32>
      %add3A_504 = arith.addf %add3A_498, %get3A_503 : vector<16xf32>
      %add3A_505 = arith.constant 2176 : i32
      %add3A_506 = arith.addi %add3A_505, %mul3A_406 : i32
      %get3A_507 = arith.index_cast %add3A_506 : i32 to index
      %get3A_508 = tpu.vector_load %arg9[%get3A_507] {strides = array<i32>} : memref<3328xf32, #tpu.memory_space<vmem>>, vector<16xf32>,
      %get3A_509 = vector.shape_cast %get3A_508 : vector<16xf32> to vector<16xf32>
      %add3A_510 = arith.addf %add3A_504, %get3A_509 : vector<16xf32>
      %add3A_511 = arith.constant 2304 : i32
      %add3A_512 = arith.addi %add3A_511, %mul3A_406 : i32
      %get3A_513 = arith.index_cast %add3A_512 : i32 to index
      %get3A_514 = tpu.vector_load %arg9[%get3A_513] {strides = array<i32>} : memref<3328xf32, #tpu.memory_space<vmem>>, vector<16xf32>,
      %get3A_515 = vector.shape_cast %get3A_514 : vector<16xf32> to vector<16xf32>
      %add3A_516 = arith.addf %add3A_510, %get3A_515 : vector<16xf32>
      %add3A_517 = arith.constant 2432 : i32
      %add3A_518 = arith.addi %add3A_517, %mul3A_406 : i32
      %get3A_519 = arith.index_cast %add3A_518 : i32 to index
      %get3A_520 = tpu.vector_load %arg9[%get3A_519] {strides = array<i32>} : memref<3328xf32, #tpu.memory_space<vmem>>, vector<16xf32>,
      %get3A_521 = vector.shape_cast %get3A_520 : vector<16xf32> to vector<16xf32>
      %add3A_522 = arith.addf %add3A_516, %get3A_521 : vector<16xf32>
      %add3A_523 = arith.constant 2560 : i32
      %add3A_524 = arith.addi %add3A_523, %mul3A_406 : i32
      %get3A_525 = arith.index_cast %add3A_524 : i32 to index
      %get3A_526 = tpu.vector_load %arg9[%get3A_525] {strides = array<i32>} : memref<3328xf32, #tpu.memory_space<vmem>>, vector<16xf32>,
      %get3A_527 = vector.shape_cast %get3A_526 : vector<16xf32> to vector<16xf32>
      %add3A_528 = arith.addf %add3A_522, %get3A_527 : vector<16xf32>
      %add3A_529 = arith.constant 2688 : i32
      %add3A_530 = arith.addi %add3A_529, %mul3A_406 : i32
      %get3A_531 = arith.index_cast %add3A_530 : i32 to index
      %get3A_532 = tpu.vector_load %arg9[%get3A_531] {strides = array<i32>} : memref<3328xf32, #tpu.memory_space<vmem>>, vector<16xf32>,
      %get3A_533 = vector.shape_cast %get3A_532 : vector<16xf32> to vector<16xf32>
      %add3A_534 = arith.addf %add3A_528, %get3A_533 : vector<16xf32>
      %add3A_535 = arith.constant 2816 : i32
      %add3A_536 = arith.addi %add3A_535, %mul3A_406 : i32
      %get3A_537 = arith.index_cast %add3A_536 : i32 to index
      %get3A_538 = tpu.vector_load %arg9[%get3A_537] {strides = array<i32>} : memref<3328xf32, #tpu.memory_space<vmem>>, vector<16xf32>,
      %get3A_539 = vector.shape_cast %get3A_538 : vector<16xf32> to vector<16xf32>
      %add3A_540 = arith.addf %add3A_534, %get3A_539 : vector<16xf32>
      %add3A_541 = arith.constant 2944 : i32
      %add3A_542 = arith.addi %add3A_541, %mul3A_406 : i32
      %get3A_543 = arith.index_cast %add3A_542 : i32 to index
      %get3A_544 = tpu.vector_load %arg9[%get3A_543] {strides = array<i32>} : memref<3328xf32, #tpu.memory_space<vmem>>, vector<16xf32>,
      %get3A_545 = vector.shape_cast %get3A_544 : vector<16xf32> to vector<16xf32>
      %add3A_546 = arith.addf %add3A_540, %get3A_545 : vector<16xf32>
      %add3A_547 = arith.constant 3072 : i32
      %add3A_548 = arith.addi %add3A_547, %mul3A_406 : i32
      %get3A_549 = arith.index_cast %add3A_548 : i32 to index
      %get3A_550 = tpu.vector_load %arg9[%get3A_549] {strides = array<i32>} : memref<3328xf32, #tpu.memory_space<vmem>>, vector<16xf32>,
      %get3A_551 = vector.shape_cast %get3A_550 : vector<16xf32> to vector<16xf32>
      %add3A_552 = arith.addf %add3A_546, %get3A_551 : vector<16xf32>
      %add3A_553 = arith.constant 3200 : i32
      %add3A_554 = arith.addi %add3A_553, %mul3A_406 : i32
      %get3A_555 = arith.index_cast %add3A_554 : i32 to index
      %get3A_556 = tpu.vector_load %arg9[%get3A_555] {strides = array<i32>} : memref<3328xf32, #tpu.memory_space<vmem>>, vector<16xf32>,
      %get3A_557 = vector.shape_cast %get3A_556 : vector<16xf32> to vector<16xf32>
      %add3A_558 = arith.addf %add3A_552, %get3A_557 : vector<16xf32>
      %swap3A = arith.index_cast %mul3A_406 : i32 to index
      %swap3A_559 = tpu.vector_load %arg10[%swap3A] {strides = array<i32>} : memref<128xf32, #tpu.memory_space<vmem>>, vector<16xf32>,
      %swap3A_560 = vector.shape_cast %swap3A_559 : vector<16xf32> to vector<16xf32>
      %swap3A_561 = vector.shape_cast %add3A_558 : vector<16xf32> to vector<16xf32>
      tpu.vector_store %arg10[%swap3A], %swap3A_561 {strides = array<i32>} : memref<128xf32, #tpu.memory_space<vmem>>, vector<16xf32>,
    }
    %scan3A_401 = arith.constant 8 : i32
    %mul3A_402 = arith.constant 128 : i32
    %mul3A_403 = arith.muli %add3A, %mul3A_402 : i32
    "tpu.region"() ({
      %run_scoped3A = tpu.sem_alloc : memref<!tpu.dma_semaphore, #tpu.memory_space<semaphore_mem>>
      %dma_start3A_404 = tpu.memref_slice %arg4[%mul3A_403] : memref<4096xf32, #tpu.memory_space<hbm>> -> memref<128xf32, #tpu.memory_space<hbm>>
      %dma_start3A_405 = tpu.memref_slice %arg4[%mul3A_403] : memref<4096xf32, #tpu.memory_space<hbm>> -> memref<128xf32, #tpu.memory_space<hbm>>
      tpu.enqueue_dma source(%arg10 : memref<128xf32, #tpu.memory_space<vmem>>) target(%dma_start3A_405 : memref<128xf32, #tpu.memory_space<hbm>>) target_semaphore(%run_scoped3A : memref<!tpu.dma_semaphore, #tpu.memory_space<semaphore_mem>>)
      %dma_wait3A_406 = tpu.memref_slice %arg4[%mul3A_403] : memref<4096xf32, #tpu.memory_space<hbm>> -> memref<128xf32, #tpu.memory_space<hbm>>
      %dma_wait3A_407 = tpu.memref_slice %arg4[%mul3A_403] : memref<4096xf32, #tpu.memory_space<hbm>> -> memref<128xf32, #tpu.memory_space<hbm>>
      tpu.wait_dma2 semaphore(%run_scoped3A : memref<!tpu.dma_semaphore, #tpu.memory_space<semaphore_mem>>) src(%arg10 : memref<128xf32, #tpu.memory_space<vmem>>) dst(%dma_wait3A_407 : memref<128xf32, #tpu.memory_space<hbm>>)
      tpu.yield
    }) : () -> ()
    return
  }
}

</mosaic_0001>

<sc_bundles>
// kernel: kernel.3.cloned.1.call-start
scs
__scs_entry_jumppad:
0x0: {  	(pc) =	sbr.rel $0x88, $3  }
0x1: {  	(tag) =	ssettag $0x0;
	lr =	simm.s32 $0x1  }
0x2: {  	[smem:$0x3F9F] =	sst lr;
	_ =	strace $0xD0000000  }
0x3: {  	_ = 	snop  }
0x4: {  	_ = 	snop  }
0x5: {  	_ = 	snop  }
0x6: {  	_ = 	snop  }
0x7: {  	_ = 	snop  }
__scs_overlays_trampoline_lowered:
0x8: {  	[smem:$0x3FAE] =	sst s0  }
0x9: {  	[smem:$0x3FAF] =	sst s1  }
0xa: {  	[smem:$0x3FB0] =	sst s2  }
0xb: {  	[smem:$0x3FB1] =	sst s3  }
0xc: {  	[smem:$0x3FB2] =	sst s4  }
0xd: {  	[smem:$0x3FB3] =	sst s5  }
0xe: {  	[smem:$0x3FB4] =	sst s6  }
0xf: {  	[smem:$0x3FB5] =	sst s7  }
0x10: {  	[smem:$0x3FB6] =	sst s8  }
0x11: {  	[smem:$0x3FB7] =	sst s9;
	s0 =	simm.s32 @!p0 $0x0  }
0x12: {  	s1 =	sld [smem:$0x3F9D];
	s0 =	simm.s32 @p0 $0x1  }
0x13: {  	[smem:$0x3FB8] =	sst s0;
	s0 =	simm.s32 @!p1 $0x0  }
0x14: {  	s2 =	sld [smem:$0x3F9C];
	s0 =	simm.s32 @p1 $0x1  }
0x15: {  	[smem:$0x3FB9] =	sst s0;
	s0 =	simm.s32 @!p2 $0x0  }
0x16: {  	s3 =	sld [smem:$0x3FDB];
	s0 =	simm.s32 @p2 $0x1  }
0x17: {  	s4 =	simm.s32 $0x1BF5;
	[smem:$0x3FBB] =	sst s0  }
0x18: {  	s0 =	sld [smem:$0x3F9E];
	_ =	swait.ge [sflag:s4], $0x0  }
0x19: {  	s7 =	sld [smem:$0x3F9F]  }
0x1a: {  	s8 =	sadd.s32 $0xFFFFE003, lr  }
0x1b: {  	s9 =	sadd.s32 $0xFFFFFEF7, lr;
	s5 =	simm.s32 $0xFFFFFFFF;
	p2 =	slt.u32 s8, $0xFFFFF086  }
0x1c: {  	p1 =	slt.u32 s9, $0xF7A;
	s5 =	simm.s32 @!p2 $0x0  }
0x1d: {  	s5 =	simm.s32 @p1 $0x1;
	p0 =	seq.s32 s7, s2  }
0x1e: {  	s7 =	smul.u32 @!p0 $0xF7A, s2;
	p2 =	seq.s32 @!p0 s5, $0x0  }
0x1f: {  	s9 =	smul.u32 $0xF7A, s1;
	s8 =	simm.s32 @!p0 $0x1BF5;
	p2 =	por !p2, p0  }
0x20: {  	[sflag:s8] =	ssyncset.s32 @!p0 $0xFFFFF086;
	s6 =	sadd.s32 @!p0 s3, s7;
	s7 =	simm.s32 @!p0 $0x108  }
0x21: {  	s3 =	sadd.s32 s3, s9;
	s6 =	sadd.s32 @!p0 $0x88, s6;
	s7 =	simm.s32 @p2 $0x1082  }
0x22: {  	[simem:s7], [sflag:s8] =	dma.local @!p0 [hbm:s6], $0xF7A  }
0x23: {  	s9 =	sor.u32 $0xD0000000, s2;
	s6 =	simm.s32 $0x108;
	_ =	swait.ge @!p0 [sflag:s8], $0x0  }
0x24: {  	s3 =	sadd.s32 $0x88, s3;
	s6 =	simm.s32 @!p1 $0x1082;
	[sflag:s4] =	ssyncset.s32 $0xFFFFF086  }
0x25: {  	[simem:s6], [sflag:s4] =	dma.local [hbm:s3], $0xF7A  }
0x26: {  	[smem:$0x3F9F] =	sst s1;
	(tag) =	ssettag s2;
	_ =	strace s9  }
0x27: {  	s1 =	sld [smem:$0x3FAF]  }
0x28: {  	s2 =	sld [smem:$0x3FB0]  }
0x29: {  	s4 =	sld [smem:$0x3FB2]  }
0x2a: {  	p0 =	seq.s32 s5, $0x0;
	s5 =	sld [smem:$0x3FB3]  }
0x2b: {  	s6 =	sld [smem:$0x3FB4]  }
0x2c: {  	s7 =	sld [smem:$0x3FB5]  }
0x2d: {  	s3 =	simm.s32 $0x108;
	s8 =	sld [smem:$0x3FB6]  }
0x2e: {  	s3 =	simm.s32 @!p0 $0x1082;
	s9 =	sld [smem:$0x3FB7]  }
0x2f: {  	lr =	sadd.s32 s0, s3;
	s0 =	sld [smem:$0x3FAE]  }
0x30: {  	s3 =	sld [smem:$0x3FB1]  }
0x31: {  	[smem:$0x3FBA] =	sst s10  }
0x32: {  	s10 =	sld [smem:$0x3FB8];
	_ =	sdelay $0x3  }
0x33: {  	p0 =	seq.s32 s10, $0x1;
	s10 =	sld [smem:$0x3FBA];
	_ =	sdelay $0x3  }
0x34: {  	[smem:$0x3FBA] =	sst s10  }
0x35: {  	s10 =	sld [smem:$0x3FB9];
	_ =	sdelay $0x3  }
0x36: {  	p1 =	seq.s32 s10, $0x1;
	s10 =	sld [smem:$0x3FBA];
	_ =	sdelay $0x3  }
0x37: {  	[smem:$0x3FBA] =	sst s10  }
0x38: {  	s10 =	sld [smem:$0x3FBB]  }
0x39: {  	_ = 	snop;
	(pc) =	sbr.ind lr, $3  }
0x3a: {  	_ = 	snop  }
0x3b: {  	_ = 	snop  }
0x3c: {  	p2 =	seq.s32 s10, $0x1;
	s10 =	sld [smem:$0x3FBA]  }
0x3d: {  	_ =	shalt  }
0x3e: {  	_ =	shalt  }
0x3f: {  	_ =	shalt  }
0x40: {  	_ =	shalt  }
0x41: {  	_ =	shalt  }
0x42: {  	_ =	shalt  }
0x43: {  	_ =	shalt  }
0x44: {  	_ =	shalt  }
0x45: {  	_ =	shalt  }
0x46: {  	_ =	shalt  }
0x47: {  	_ =	shalt  }
0x48: {  	_ =	shalt  }
0x49: {  	_ =	shalt  }
0x4a: {  	_ =	shalt  }
0x4b: {  	_ =	shalt  }
0x4c: {  	_ =	shalt  }
0x4d: {  	_ =	shalt  }
0x4e: {  	_ =	shalt  }
0x4f: {  	_ =	shalt  }
0x50: {  	_ =	shalt  }
0x51: {  	_ =	shalt  }
0x52: {  	_ =	shalt  }
0x53: {  	_ =	shalt  }
0x54: {  	_ =	shalt  }
0x55: {  	_ =	shalt  }
0x56: {  	_ =	shalt  }
0x57: {  	_ =	shalt  }
0x58: {  	_ =	shalt  }
0x59: {  	_ =	shalt  }
0x5a: {  	_ =	shalt  }
0x5b: {  	_ =	shalt  }
0x5c: {  	_ =	shalt  }
0x5d: {  	_ =	shalt  }
0x5e: {  	_ =	shalt  }
0x5f: {  	_ =	shalt  }
0x60: {  	_ =	shalt  }
0x61: {  	_ =	shalt  }
0x62: {  	_ =	shalt  }
0x63: {  	_ =	shalt  }
0x64: {  	_ =	shalt  }
0x65: {  	_ =	shalt  }
0x66: {  	_ =	shalt  }
0x67: {  	_ =	shalt  }
0x68: {  	_ =	shalt  }
0x69: {  	_ =	shalt  }
0x6a: {  	_ =	shalt  }
0x6b: {  	_ =	shalt  }
0x6c: {  	_ =	shalt  }
0x6d: {  	_ =	shalt  }
0x6e: {  	_ =	shalt  }
0x6f: {  	_ =	shalt  }
0x70: {  	_ =	shalt  }
0x71: {  	_ =	shalt  }
0x72: {  	_ =	shalt  }
0x73: {  	_ =	shalt  }
0x74: {  	_ =	shalt  }
0x75: {  	_ =	shalt  }
0x76: {  	_ =	shalt  }
0x77: {  	_ =	shalt  }
0x78: {  	_ =	shalt  }
0x79: {  	_ =	shalt  }
0x7a: {  	_ =	shalt  }
0x7b: {  	_ =	shalt  }
0x7c: {  	_ =	shalt  }
0x7d: {  	_ =	shalt  }
0x7e: {  	_ =	shalt  }
0x7f: {  	_ =	shalt  }
0x80: {  	_ =	shalt  }
0x81: {  	_ =	shalt  }
0x82: {  	_ =	shalt  }
0x83: {  	_ =	shalt  }
0x84: {  	_ =	shalt  }
0x85: {  	_ =	shalt  }
0x86: {  	_ =	shalt  }
0x87: {  	_ =	shalt  }
.Lfunc_end0:
.L_simem_size_0:
called_computation_lowered:
.L_overlay_start_0:
0x88: {  	s2 =	sld [smem:$0x3FD9]  }
0x89: {  	s3 =	sld [smem:$0x3FFE];
	_ =	sdelay $0x1  }
0x8a: {  	s1 =	srdreg.scid  }
0x8b: {  	s0 =	sand.u32 $0x1, s1  }
0x8c: {  	s17 =	sshll.u32 s0, $0xA;
	s2 =	sadd.s32 s3, s2  }
0x8d: {  	s2 =	sadd.s32 s2, s17  }
0x8e: {  	[smem:$0x3FC6] =	sst s2  }
0x8f: {  	_ = 	snop  }
0x90: {  	s2 =	sld [smem:$0x3FD0];
	(tm) =	ssettm $0x1  }
0x91: {  	s18 =	sld [smem:$0x3FFB];
	_ =	sdelay $0x3  }
0x92: {  	_ =	strace s18  }
0x93: {  	s3 =	sld [smem:$0x3FFC];
	_ =	sdelay $0x3  }
0x94: {  	_ =	strace s3  }
0x95: {  	s3 =	sld [smem:$0x3FFD];
	_ =	sdelay $0x3  }
0x96: {  	_ =	strace s3  }
0x97: {  	_ =	strace $0x8FFFFFFF  }
0x98: {  	s19 =	sld [smem:$0x3FDB];
	_ =	sdelay $0x1  }
0x99: {  	s4 =	simm.s32 $_scs_section_size  }
0x9a: {  	s5 =	simm.s32 $_size__tile_overlayer_lowered;
	s6 =	simm.s32 $_tile_overlayer_lowered  }
0x9b: {  	s22 =	simm.s32 $0x1BFF;
	s21 =	sshll.u32 s6, $0x1;
	s3 =	sadd.s32 s4, s19  }
0x9c: {  	s7 =	simm.s32 $0x0;
	s20 =	sshll.u32 s5, $0x1;
	s5 =	sadd.s32 s21, s3  }
0x9d: {  	[timem:s7], [sflag:s22] =	dma.local [hbm:s5], s20  }
0x9e: {  	_ =	swait.ge [sflag:s22], s20  }
0x9f: {  	s4 =	ssub.s32 $0x0, s20;
	[sflag:s22] =	ssyncset.done $0x0  }
0xa0: {  	[sflag:s22] =	ssyncadd.s32 s4;
	_ =	sdelay $0x1  }
0xa1: {  	s23 =	simm.s32 $0x1B8B  }
0xa2: {  	_ =	swait.ge [sflag:s23], $0x1  }
0xa3: {  	[sflag:s23] =	ssyncset.done $0x0  }
0xa4: {  	s25 =	simm.s32 $0x1B8E;
	s24 =	sld [smem:$0x3FFE];
	[sflag:s23] =	ssyncadd.s32 $0xFFFFFFFF  }
0xa5: {  	s26 =	simm.s32 $execute0_lowered;
	[smem:$0x3FD2] =	sst s25  }
0xa6: {  	s5 =	sshll.u32 s26, $0x1;
	_ =	strace $0x80000046;
	[dreg:$0x1] =	wrdreg $0xFFFFFFFF  }
0xa7: {  	s28 =	simm.s32 $_size_execute0_lowered;
	s3 =	sadd.s32 s3, s5;
	[dreg:$0x0] =	wrdreg $0x0  }
0xa8: {  	s5 =	sshll.u32 s28, $0x1;
	[dreg:$0x2] =	wrdreg s3  }
0xa9: {  	[dreg:$0x3] =	wrdreg s5  }
0xaa: {  	[dreg:$0x4] =	wrdreg $0xC0  }
0xab: {  	_ =	task [dreg:s7], $0x5FFFF  }
0xac: {  	[dreg:$0x1] =	wrdreg $0xFFFFFFFF  }
0xad: {  	[dreg:$0x0] =	wrdreg $0x60  }
0xae: {  	[dreg:$0x2] =	wrdreg s24  }
0xaf: {  	[dreg:$0x3] =	wrdreg s2  }
0xb0: {  	[dreg:$0x4] =	wrdreg $0x0  }
0xb1: {  	[dreg:$0x5] =	wrdreg $0x9  }
0xb2: {  	_ =	task.clear_ibuf [dreg:s7], $0x6FFFF;
	_ =	strace $0x90000046  }
0xb3: {  	s29 =	simm.s32 $0x9;
	_ =	strace $0x80000048  }
0xb4: {  	_ =	swait.ge [sflag:s29], $0x1  }
0xb5: {  	[sflag:s29] =	ssyncadd.s32 $0xFFFFFFFF  }
0xb6: {  	_ =	strace $0x90000048  }
0xb7: {  	_ =	sfence  }
0xb8: {  	s30 =	sld [smem:$0x0];
	_ =	sdelay $0x2  }
0xb9: {  	s31 =	sshll.u32 s1, $0xD;
	s1 =	sshrl.u32 s1, $0x2  }
0xba: {  	s3 =	sand.u32 $0x4000, s31;
	s1 =	sadd.s32 s1, s30  }
0xbb: {  	s0 =	sor.u32 s3, s0;
	s1 =	sshll.u32 s1, $0x11  }
0xbc: {  	s0 =	sor.u32 s1, s0  }
0xbd: {  	s0 =	sadd.s32 $0x8F2B, s0  }
0xbe: {  	[sflag:s0] =	ssyncadd.remote.s32 $0x1  }
0xbf: {  	_ =	sfence.sel $0xFFFF  }
0xc0: {  	[dreg:$0x0] =	wrdreg $0xFFFFFFFF;
	(pc) =	sbr.abs _section_cstart, $3  }
0xc1: {  	[dreg:$0x1] =	wrdreg $0xFFFFFFFF  }
0xc2: {  	_ =	task.clear_ibuf [dreg:s7], $0x2FFFF;
	_ =	strace $0x9FFFFFFF  }
0xc3: {  	(tm) =	ssettm $0x7FFFFFFF  }
tec
execute0_lowered:
.L_overlay_start_1:
0x0: {  	(tag) =	ssettag $0x1  }
0x1: {  	s0 =	rddreg [dreg:$0x0]  }
0x2: {  	s1 =	rddreg [dreg:$0x1]  }
0x3: {  	s2 =	rddreg [dreg:$0x2]  }
0x4: {  	s3 =	srdreg.scid;
	s6 =	stileid.u32;
	s12 =	simm.s32 $0x9300  }
0x5: {  	s17 =	simm.s32 $0x1;
	s19 =	simm.s32 $0x3;
	s20 =	simm.s32 $0x2  }
0x6: {  	s21 =	simm.s32 $0x80;
	s13 =	simm.s32 $0x9E00;
	s14 =	simm.s32 $0xAB00  }
0x7: {  	s15 =	simm.s32 $0x9E80;
	s16 =	simm.s32 $0xAB80;
	s18 =	simm.s32 $0x9F00  }
0x8: {  	s22 =	simm.s32 $0xAC00;
	s23 =	simm.s32 $0x9F80;
	s24 =	simm.s32 $0xAC80  }
0x9: {  	s25 =	simm.s32 $0xAD00;
	s26 =	simm.s32 $0x0;
	s4 =	sand.u32 $0x1, s3  }
0xa: {  	s5 =	sshll.u32 s6, $0x1;
	s3 =	simm.s32 $0x0;
	s10 =	smul.u32 $0x1880, s6  }
0xb: {  	s9 =	sor.u32 s4, s5;
	[smem:$0x7FF] =	sst s3;
	s4 =	ssub.s32 $0x2, s4  }
0xc: {  	s5 =	smul.u32 $0x1A0, s9;
	_ =	strace $0x80000047;
	s6 =	sshrl.u32 s10, $0x3  }
0xd: {  	s7 =	sshrl.u32 s4, $0x1;
	s31 =	sshll.u32 s9, $0x4;
	s9 =	sadd.s32 s10, s2  }
0xe: {  	s11 =	ssub.s32 s4, s7;
	s10 =	sadd.s32 s1, s31;
	s1 =	simm.s32 $0xAA80  }
0xf: {  	s5 =	sadd.s32 s5, s0;
	s0 =	sadd.s32 s6, s0;
	s11 =	smax.u32 s11, $0x1  }
0x10: {  	s4 =	sadd.s32 $0xCA00, s5;
	s5 =	sadd.s32 $0x600, s0;
	s6 =	sadd.s32 $0x3700, s0  }
0x11: {  	s7 =	sadd.s32 $0x6800, s0;
	s8 =	sadd.s32 $0x9900, s0;
	s0 =	simm.s32 $0x9D80  }
.LBB2_1:
0x12: {  	[tilespmem:s12], [sflag:$0x2] =	stream.linear.gather [hbm4b:s4+s3], $0xD00, $0x38;
	[tilespmem:$0xAD80] =	vst v63  }
0x13: {  	s28 =	simm.s32 $0x1880  }
0x14: {  	[tilespmem:s28], [sflag:$0x1] =	stream.linear.gather [hbm4b:s5+s3], $0x1880, $0x38;
	[tilespmem:$0xAD80] =	vst v63  }
0x15: {  	s28 =	simm.s32 $0x3100  }
0x16: {  	[tilespmem:s28], [sflag:$0x1] =	stream.linear.gather [hbm4b:s6+s3], $0x1880, $0x38;
	[tilespmem:$0xAD80] =	vst v63  }
0x17: {  	s28 =	simm.s32 $0x4980  }
0x18: {  	[tilespmem:s28], [sflag:$0x1] =	stream.linear.gather [hbm4b:s7+s3], $0x1880, $0x38;
	[tilespmem:$0xAD80] =	vst v63  }
0x19: {  	s28 =	simm.s32 $0x6200  }
0x1a: {  	[tilespmem:s28], [sflag:$0x1] =	stream.linear.gather [hbm4b:s8+s3], $0x1880, $0x38;
	[tilespmem:$0xAD80] =	vst v63  }
0x1b: {  	_ =	swait.ge [sflag:s17], $0x1880  }
0x1c: {  	[sflag:s17] =	ssyncset.done $0x0  }
0x1d: {  	[sflag:s17] =	ssyncadd.s32 $0xFFFFE780  }
0x1e: {  	_ =	swait.ge [sflag:s17], $0x1880  }
0x1f: {  	[sflag:s17] =	ssyncset.done $0x0  }
0x20: {  	[sflag:s17] =	ssyncadd.s32 $0xFFFFE780  }
0x21: {  	_ =	swait.ge [sflag:s17], $0x1880  }
0x22: {  	[sflag:s17] =	ssyncset.done $0x0  }
0x23: {  	[sflag:s17] =	ssyncadd.s32 $0xFFFFE780  }
0x24: {  	_ =	swait.ge [sflag:s17], $0x1880  }
0x25: {  	[sflag:s17] =	ssyncset.done $0x0  }
0x26: {  	s28 =	simm.s32 $0x0;
	[sflag:s17] =	ssyncadd.s32 $0xFFFFE780  }
0x27: {  	v0 =	vld [tilespmem:s28+$0x18F0]  }
0x28: {  	v1 =	vld [tilespmem:s28+$0x3170]  }
0x29: {  	v2 =	vld [tilespmem:s28+$0x1880]  }
0x2a: {  	v3 =	vld [tilespmem:s28+$0x49F0]  }
0x2b: {  	v4 =	vld [tilespmem:s28+$0x3100]  }
0x2c: {  	v5 =	vld [tilespmem:s28+$0x6270]  }
0x2d: {  	v6 =	vld [tilespmem:s28+$0x1890]  }
0x2e: {  	v7 =	vld [tilespmem:s28+$0x18A0]  }
0x2f: {  	v8 =	vld [tilespmem:s28+$0x18B0]  }
0x30: {  	v9 =	vld [tilespmem:s28+$0x18C0]  }
0x31: {  	v10 =	vld [tilespmem:s28+$0x18D0]  }
0x32: {  	v11 =	vld [tilespmem:s28+$0x3150]  }
0x33: {  	v12 =	vld [tilespmem:s28+$0x18E0]  }
0x34: {  	v13 =	vld [tilespmem:s28+$0x3160]  }
0x35: {  	v14 =	vld [tilespmem:s28+$0x4980]  }
0x36: {  	v15 =	vld [tilespmem:s28+$0x4990]  }
0x37: {  	v16 =	vld [tilespmem:s28+$0x49A0];
	v0 =	vadd.f32 v1, v0  }
0x38: {  	v17 =	vld [tilespmem:s28+$0x49B0]  }
0x39: {  	v18 =	vld [tilespmem:s28+$0x49C0];
	v0 =	vadd.f32 v3, v0  }
0x3a: {  	v1 =	vld [tilespmem:s28+$0x3110]  }
0x3b: {  	v3 =	vld [tilespmem:s28+$0x3120];
	v0 =	vadd.f32 v5, v0  }
0x3c: {  	v5 =	vld [tilespmem:s28+$0x3130]  }
0x3d: {  	[tilespmem:s28+$0x7AF0] =	vst v0;
	v0 =	vld [tilespmem:s28+$0x3140]  }
0x3e: {  	v19 =	vld [tilespmem:s28+$0x49D0]  }
0x3f: {  	v20 =	vld [tilespmem:s28+$0x49E0];
	v2 =	vadd.f32 v4, v2  }
0x40: {  	v21 =	vld [tilespmem:s28+$0x6200];
	v1 =	vadd.f32 v1, v6;
	v3 =	vadd.f32 v3, v7  }
0x41: {  	v22 =	vld [tilespmem:s28+$0x6210];
	v5 =	vadd.f32 v5, v8;
	v8 =	vadd.f32 v14, v2  }
0x42: {  	v23 =	vld [tilespmem:s28+$0x6220];
	v62 =	vadd.f32 v16, v3;
	v0 =	vadd.f32 v0, v9  }
0x43: {  	v7 =	vld [tilespmem:s28+$0x6230];
	v9 =	vadd.f32 v11, v10;
	v10 =	vadd.f32 v13, v12  }
0x44: {  	v4 =	vld [tilespmem:s28+$0x6240];
	v11 =	vadd.f32 v15, v1;
	v6 =	vadd.f32 v17, v5  }
0x45: {  	v5 =	vld [tilespmem:s28+$0x6250];
	v63 =	vadd.f32 v21, v8;
	v2 =	vadd.f32 v18, v0  }
0x46: {  	s29 =	simm.s32 $0x80;
	v8 =	vld [tilespmem:s28+$0x6260];
	v3 =	vadd.f32 v19, v9;
	v9 =	vadd.f32 v22, v11  }
0x47: {  	s30 =	simm.s32 $0x400;
	v1 =	vld [tilespmem:s29+$0x18F0];
	v0 =	vadd.f32 v20, v10;
	[tilespmem:s28+$0x7A80] =	vst v63;
	v10 =	vadd.f32 v23, v62  }
.LBB2_2:
0x48: {  	p0 =	sne.s32 s30, $0x6000;
	v11 =	vld [tilespmem:s29+$0x3170];
	[tilespmem:s28+$0x7A90] =	vst v9;
	v6 =	vadd.f32 v7, v6  }
0x49: {  	v7 =	vld [tilespmem:s29+$0x1880];
	[tilespmem:s28+$0x7AA0] =	vst v10;
	v2 =	vadd.f32 v4, v2  }
0x4a: {  	v4 =	vld [tilespmem:s29+$0x49F0];
	[tilespmem:s28+$0x7AB0] =	vst v6;
	v3 =	vadd.f32 v5, v3  }
0x4b: {  	v5 =	vld [tilespmem:s29+$0x3100];
	[tilespmem:s28+$0x7AC0] =	vst v2;
	v0 =	vadd.f32 v8, v0  }
0x4c: {  	v2 =	vld [tilespmem:s29+$0x6270];
	[tilespmem:s28+$0x7AD0] =	vst v3  }
0x4d: {  	v3 =	vld [tilespmem:s29+$0x1890];
	v1 =	vadd.f32 v11, v1;
	[tilespmem:s28+$0x7AE0] =	vst v0;
	s28 =	smov.u32 s29  }
0x4e: {  	v0 =	vld [tilespmem:s28+$0x3110]  }
0x4f: {  	v6 =	vld [tilespmem:s28+$0x18A0];
	v1 =	vadd.f32 v4, v1  }
0x50: {  	v4 =	vadd.f32 v5, v7;
	v5 =	vld [tilespmem:s28+$0x3120]  }
0x51: {  	v7 =	vld [tilespmem:s28+$0x18B0];
	v1 =	vadd.f32 v2, v1  }
0x52: {  	v2 =	vld [tilespmem:s28+$0x3130]  }
0x53: {  	v0 =	vadd.f32 v0, v3;
	v3 =	vld [tilespmem:s28+$0x18C0];
	[tilespmem:s28+$0x7AF0] =	vst v1  }
0x54: {  	v1 =	vld [tilespmem:s28+$0x3140]  }
0x55: {  	v5 =	vadd.f32 v5, v6;
	v6 =	vld [tilespmem:s28+$0x18D0]  }
0x56: {  	v8 =	vld [tilespmem:s28+$0x3150]  }
0x57: {  	v2 =	vadd.f32 v2, v7;
	v7 =	vld [tilespmem:s28+$0x18E0]  }
0x58: {  	v9 =	vld [tilespmem:s28+$0x3160]  }
0x59: {  	v10 =	vld [tilespmem:s28+$0x4980];
	v1 =	vadd.f32 v1, v3  }
0x5a: {  	v3 =	vld [tilespmem:s28+$0x4990]  }
0x5b: {  	v11 =	vld [tilespmem:s28+$0x49A0];
	v8 =	vadd.f32 v8, v6  }
0x5c: {  	v6 =	vld [tilespmem:s28+$0x49B0]  }
0x5d: {  	v12 =	vld [tilespmem:s28+$0x49C0];
	v9 =	vadd.f32 v9, v7  }
0x5e: {  	v10 =	vadd.f32 v10, v4;
	v4 =	vld [tilespmem:s28+$0x49D0]  }
0x5f: {  	v13 =	vadd.f32 v3, v0;
	v0 =	vld [tilespmem:s28+$0x49E0]  }
0x60: {  	v14 =	vld [tilespmem:s28+$0x6200];
	v11 =	vadd.f32 v11, v5  }
0x61: {  	v15 =	vld [tilespmem:s28+$0x6210];
	v6 =	vadd.f32 v6, v2  }
0x62: {  	v16 =	vld [tilespmem:s28+$0x6220];
	v2 =	vadd.f32 v12, v1  }
.Ltmp0:
0x63: {  	v7 =	vld [tilespmem:s28+$0x6230];
	v3 =	vadd.f32 v4, v8;
	(pc) =	sbr.rel @p0 .LBB2_2-.Ltmp0, $4  }
0x64: {  	v4 =	vld [tilespmem:s28+$0x6240];
	v0 =	vadd.f32 v0, v9  }
0x65: {  	v10 =	vadd.f32 v14, v10;
	v5 =	vld [tilespmem:s28+$0x6250]  }
0x66: {  	s29 =	sshra.s32 s30, $0x2;
	v9 =	vadd.f32 v15, v13;
	v8 =	vld [tilespmem:s28+$0x6260]  }
0x67: {  	s30 =	sadd.s32 $0x200, s30;
	v1 =	vld [tilespmem:s29+$0x18F0];
	[tilespmem:s28+$0x7A80] =	vst v10;
	v10 =	vadd.f32 v16, v11  }
0x68: {  	v11 =	vld [tilespmem:s29+$0x3170];
	[tilespmem:s28+$0x7A90] =	vst v9;
	v6 =	vadd.f32 v7, v6  }
0x69: {  	v9 =	vld [tilespmem:s29+$0x1880];
	[tilespmem:s28+$0x7AA0] =	vst v10;
	v2 =	vadd.f32 v4, v2  }
0x6a: {  	v7 =	vld [tilespmem:s29+$0x49F0];
	[tilespmem:s28+$0x7AB0] =	vst v6;
	v3 =	vadd.f32 v5, v3  }
0x6b: {  	v4 =	vld [tilespmem:s29+$0x3100];
	[tilespmem:s28+$0x7AC0] =	vst v2;
	v0 =	vadd.f32 v8, v0  }
0x6c: {  	v2 =	vld [tilespmem:s29+$0x6270];
	[tilespmem:s28+$0x7AD0] =	vst v3  }
0x6d: {  	v3 =	vld [tilespmem:s29+$0x1890];
	[tilespmem:s28+$0x7AE0] =	vst v0  }
0x6e: {  	v0 =	vadd.f32 v11, v1;
	v1 =	vld [tilespmem:s29+$0x3110]  }
0x6f: {  	v5 =	vld [tilespmem:s29+$0x18A0]  }
0x70: {  	v6 =	vld [tilespmem:s29+$0x3120]  }
0x71: {  	v8 =	vld [tilespmem:s29+$0x18C0]  }
0x72: {  	v10 =	vld [tilespmem:s29+$0x18D0]  }
0x73: {  	v59 =	vld [tilespmem:s29+$0x3150]  }
0x74: {  	v12 =	vld [tilespmem:s29+$0x18E0]  }
0x75: {  	v13 =	vld [tilespmem:s29+$0x3160]  }
0x76: {  	v14 =	vld [tilespmem:s29+$0x4980]  }
0x77: {  	v15 =	vld [tilespmem:s29+$0x4990]  }
0x78: {  	v16 =	vld [tilespmem:s29+$0x49A0]  }
0x79: {  	v17 =	vld [tilespmem:s29+$0x49B0]  }
0x7a: {  	v18 =	vld [tilespmem:s29+$0x49C0];
	v0 =	vadd.f32 v7, v0  }
0x7b: {  	v19 =	vld [tilespmem:s29+$0x49D0]  }
0x7c: {  	v20 =	vld [tilespmem:s29+$0x49E0];
	v0 =	vadd.f32 v2, v0  }
0x7d: {  	v7 =	vld [tilespmem:s29+$0x18B0]  }
0x7e: {  	[tilespmem:s29+$0x7AF0] =	vst v0;
	v0 =	vld [tilespmem:s29+$0x3140]  }
0x7f: {  	v2 =	vld [tilespmem:s29+$0x3130]  }
0x80: {  	v60 =	vld [tilespmem:s29+$0x6200];
	v4 =	vadd.f32 v4, v9  }
0x81: {  	v1 =	vadd.f32 v1, v3;
	v3 =	vadd.f32 v6, v5;
	v5 =	vld [tilespmem:s29+$0x6210]  }
0x82: {  	v6 =	vld [tilespmem:s29+$0x6220];
	v4 =	vadd.f32 v14, v4;
	v61 =	vadd.f32 v13, v12  }
0x83: {  	v1 =	vadd.f32 v15, v1;
	v0 =	vadd.f32 v0, v8;
	v8 =	vld [tilespmem:s29+$0x6230]  }
0x84: {  	v62 =	vld [tilespmem:s29+$0x6240];
	v3 =	vadd.f32 v16, v3;
	v2 =	vadd.f32 v2, v7  }
0x85: {  	v63 =	vld [tilespmem:s29+$0x6250];
	v4 =	vadd.f32 v60, v4;
	v7 =	vadd.f32 v59, v10  }
0x86: {  	v2 =	vadd.f32 v17, v2;
	v1 =	vadd.f32 v5, v1;
	v5 =	vld [tilespmem:s29+$0x6260]  }
0x87: {  	[tilespmem:s29+$0x7A80] =	vst v4;
	v3 =	vadd.f32 v6, v3;
	v0 =	vadd.f32 v18, v0  }
0x88: {  	v4 =	vadd.f32 v19, v7;
	[tilespmem:s29+$0x7A90] =	vst v1;
	v1 =	vadd.f32 v8, v2  }
0x89: {  	[tilespmem:s29+$0x7AA0] =	vst v3;
	v0 =	vadd.f32 v62, v0;
	v2 =	vadd.f32 v20, v61  }
0x8a: {  	[tilespmem:s29+$0x7AB0] =	vst v1;
	v1 =	vadd.f32 v63, v4  }
0x8b: {  	[tilespmem:s29+$0x7AC0] =	vst v0;
	v0 =	vadd.f32 v5, v2  }
0x8c: {  	[tilespmem:s29+$0x7AD0] =	vst v1  }
0x8d: {  	s28 =	simm.s32 $0x7A80;
	[tilespmem:s29+$0x7AE0] =	vst v0  }
0x8e: {  	[spmem:s9] =	stream.linear.scatter [tilespmem:s28], [sflag:$0x3], $0x1880, $0x38;
	[tilespmem:$0xAD80] =	vst v63  }
0x8f: {  	_ =	swait.ge [sflag:s19], $0x1880  }
0x90: {  	[sflag:s19] =	ssyncset.done $0x0  }
0x91: {  	[sflag:s19] =	ssyncadd.s32 $0xFFFFE780  }
0x92: {  	[bflag:$0x0] =	sbarrier.arrive $0xFFFF  }
0x93: {  	_ =	swait.ge [sflag:s20], $0xD00  }
0x94: {  	[sflag:s20] =	ssyncset.done $0x0  }
0x95: {  	s28 =	simm.s32 $0xA000;
	[sflag:s20] =	ssyncadd.s32 $0xFFFFF300  }
0x96: {  	[tilespmem:s28], [sflag:$0x1] =	stream.indirect.gather [spmem:s2], $0x1, s12, s21, $0xb8;
	[tilespmem:$0xAD80] =	vst v63  }
0x97: {  	s29 =	simm.s32 $0xA080;
	s28 =	simm.s32 $0x9380  }
0x98: {  	[tilespmem:s29], [sflag:$0x1] =	stream.indirect.gather [spmem:s2], $0x1, s28, s21, $0xb8;
	[tilespmem:$0xAD80] =	vst v63  }
0x99: {  	s28 =	simm.s32 $0x9400;
	s29 =	simm.s32 $0xA100  }
0x9a: {  	[tilespmem:s29], [sflag:$0x1] =	stream.indirect.gather [spmem:s2], $0x1, s28, s21, $0xb8;
	[tilespmem:$0xAD80] =	vst v63  }
0x9b: {  	s28 =	simm.s32 $0x9480;
	s29 =	simm.s32 $0xA180  }
0x9c: {  	[tilespmem:s29], [sflag:$0x1] =	stream.indirect.gather [spmem:s2], $0x1, s28, s21, $0xb8;
	[tilespmem:$0xAD80] =	vst v63  }
0x9d: {  	s28 =	simm.s32 $0x9500;
	s29 =	simm.s32 $0xA200  }
0x9e: {  	[tilespmem:s29], [sflag:$0x1] =	stream.indirect.gather [spmem:s2], $0x1, s28, s21, $0xb8;
	[tilespmem:$0xAD80] =	vst v63  }
0x9f: {  	s28 =	simm.s32 $0x9580;
	s29 =	simm.s32 $0xA280  }
0xa0: {  	[tilespmem:s29], [sflag:$0x1] =	stream.indirect.gather [spmem:s2], $0x1, s28, s21, $0xb8;
	[tilespmem:$0xAD80] =	vst v63  }
0xa1: {  	s28 =	simm.s32 $0x9600;
	s29 =	simm.s32 $0xA300  }
0xa2: {  	[tilespmem:s29], [sflag:$0x1] =	stream.indirect.gather [spmem:s2], $0x1, s28, s21, $0xb8;
	[tilespmem:$0xAD80] =	vst v63  }
0xa3: {  	s28 =	simm.s32 $0x9680;
	s29 =	simm.s32 $0xA380  }
0xa4: {  	[tilespmem:s29], [sflag:$0x1] =	stream.indirect.gather [spmem:s2], $0x1, s28, s21, $0xb8;
	[tilespmem:$0xAD80] =	vst v63  }
0xa5: {  	s28 =	simm.s32 $0x9700;
	s29 =	simm.s32 $0xA400  }
0xa6: {  	[tilespmem:s29], [sflag:$0x1] =	stream.indirect.gather [spmem:s2], $0x1, s28, s21, $0xb8;
	[tilespmem:$0xAD80] =	vst v63  }
0xa7: {  	s28 =	simm.s32 $0x9780;
	s29 =	simm.s32 $0xA480  }
0xa8: {  	[tilespmem:s29], [sflag:$0x1] =	stream.indirect.gather [spmem:s2], $0x1, s28, s21, $0xb8;
	[tilespmem:$0xAD80] =	vst v63  }
0xa9: {  	s28 =	simm.s32 $0x9800;
	s29 =	simm.s32 $0xA500  }
0xaa: {  	[tilespmem:s29], [sflag:$0x1] =	stream.indirect.gather [spmem:s2], $0x1, s28, s21, $0xb8;
	[tilespmem:$0xAD80] =	vst v63  }
0xab: {  	s28 =	simm.s32 $0x9880;
	s29 =	simm.s32 $0xA580  }
0xac: {  	[tilespmem:s29], [sflag:$0x1] =	stream.indirect.gather [spmem:s2], $0x1, s28, s21, $0xb8;
	[tilespmem:$0xAD80] =	vst v63  }
0xad: {  	s28 =	simm.s32 $0x9900;
	s29 =	simm.s32 $0xA600  }
0xae: {  	[tilespmem:s29], [sflag:$0x1] =	stream.indirect.gather [spmem:s2], $0x1, s28, s21, $0xb8;
	[tilespmem:$0xAD80] =	vst v63  }
0xaf: {  	s28 =	simm.s32 $0x9980;
	s29 =	simm.s32 $0xA680  }
0xb0: {  	[tilespmem:s29], [sflag:$0x1] =	stream.indirect.gather [spmem:s2], $0x1, s28, s21, $0xb8;
	[tilespmem:$0xAD80] =	vst v63  }
0xb1: {  	s28 =	simm.s32 $0x9A00;
	s29 =	simm.s32 $0xA700  }
0xb2: {  	[tilespmem:s29], [sflag:$0x1] =	stream.indirect.gather [spmem:s2], $0x1, s28, s21, $0xb8;
	[tilespmem:$0xAD80] =	vst v63  }
0xb3: {  	s28 =	simm.s32 $0x9A80;
	s29 =	simm.s32 $0xA780  }
0xb4: {  	[tilespmem:s29], [sflag:$0x1] =	stream.indirect.gather [spmem:s2], $0x1, s28, s21, $0xb8;
	[tilespmem:$0xAD80] =	vst v63  }
0xb5: {  	s28 =	simm.s32 $0x9B00;
	s29 =	simm.s32 $0xA800  }
0xb6: {  	[tilespmem:s29], [sflag:$0x1] =	stream.indirect.gather [spmem:s2], $0x1, s28, s21, $0xb8;
	[tilespmem:$0xAD80] =	vst v63  }
0xb7: {  	s28 =	simm.s32 $0x9B80;
	s29 =	simm.s32 $0xA880  }
0xb8: {  	[tilespmem:s29], [sflag:$0x1] =	stream.indirect.gather [spmem:s2], $0x1, s28, s21, $0xb8;
	[tilespmem:$0xAD80] =	vst v63  }
0xb9: {  	s28 =	simm.s32 $0x9C00;
	s29 =	simm.s32 $0xA900  }
0xba: {  	[tilespmem:s29], [sflag:$0x1] =	stream.indirect.gather [spmem:s2], $0x1, s28, s21, $0xb8;
	[tilespmem:$0xAD80] =	vst v63  }
0xbb: {  	s28 =	simm.s32 $0x9C80;
	s29 =	simm.s32 $0xA980  }
0xbc: {  	[tilespmem:s29], [sflag:$0x1] =	stream.indirect.gather [spmem:s2], $0x1, s28, s21, $0xb8;
	[tilespmem:$0xAD80] =	vst v63  }
0xbd: {  	s28 =	simm.s32 $0x9D00;
	s29 =	simm.s32 $0xAA00  }
0xbe: {  	[tilespmem:s29], [sflag:$0x1] =	stream.indirect.gather [spmem:s2], $0x1, s28, s21, $0xb8;
	[tilespmem:$0xAD80] =	vst v63  }
0xbf: {  	_ = 	snop  }
0xc0: {  	[tilespmem:s1], [sflag:$0x1] =	stream.indirect.gather [spmem:s2], $0x1, s0, s21, $0xb8;
	[tilespmem:$0xAD80] =	vst v63  }
0xc1: {  	_ = 	snop  }
0xc2: {  	[tilespmem:s14], [sflag:$0x1] =	stream.indirect.gather [spmem:s2], $0x1, s13, s21, $0xb8;
	[tilespmem:$0xAD80] =	vst v63  }
0xc3: {  	_ = 	snop  }
0xc4: {  	[tilespmem:s16], [sflag:$0x1] =	stream.indirect.gather [spmem:s2], $0x1, s15, s21, $0xb8;
	[tilespmem:$0xAD80] =	vst v63  }
0xc5: {  	_ = 	snop  }
0xc6: {  	[tilespmem:s22], [sflag:$0x1] =	stream.indirect.gather [spmem:s2], $0x1, s18, s21, $0xb8;
	[tilespmem:$0xAD80] =	vst v63  }
0xc7: {  	_ = 	snop  }
0xc8: {  	[tilespmem:s24], [sflag:$0x1] =	stream.indirect.gather [spmem:s2], $0x1, s23, s21, $0xb8;
	[tilespmem:$0xAD80] =	vst v63  }
0xc9: {  	_ =	swait.ge [sflag:s17], $0x80  }
0xca: {  	[sflag:s17] =	ssyncset.done $0x0  }
0xcb: {  	[sflag:s17] =	ssyncadd.s32 $0xFFFFFF80  }
0xcc: {  	_ =	swait.ge [sflag:s17], $0x80  }
0xcd: {  	[sflag:s17] =	ssyncset.done $0x0  }
0xce: {  	[sflag:s17] =	ssyncadd.s32 $0xFFFFFF80  }
0xcf: {  	_ =	swait.ge [sflag:s17], $0x80  }
0xd0: {  	[sflag:s17] =	ssyncset.done $0x0  }
0xd1: {  	[sflag:s17] =	ssyncadd.s32 $0xFFFFFF80  }
0xd2: {  	_ =	swait.ge [sflag:s17], $0x80  }
0xd3: {  	[sflag:s17] =	ssyncset.done $0x0  }
0xd4: {  	[sflag:s17] =	ssyncadd.s32 $0xFFFFFF80  }
0xd5: {  	_ =	swait.ge [sflag:s17], $0x80  }
0xd6: {  	[sflag:s17] =	ssyncset.done $0x0  }
0xd7: {  	[sflag:s17] =	ssyncadd.s32 $0xFFFFFF80  }
0xd8: {  	_ =	swait.ge [sflag:s17], $0x80  }
0xd9: {  	[sflag:s17] =	ssyncset.done $0x0  }
0xda: {  	[sflag:s17] =	ssyncadd.s32 $0xFFFFFF80  }
0xdb: {  	_ =	swait.ge [sflag:s17], $0x80  }
0xdc: {  	[sflag:s17] =	ssyncset.done $0x0  }
0xdd: {  	[sflag:s17] =	ssyncadd.s32 $0xFFFFFF80  }
0xde: {  	_ =	swait.ge [sflag:s17], $0x80  }
0xdf: {  	[sflag:s17] =	ssyncset.done $0x0  }
0xe0: {  	[sflag:s17] =	ssyncadd.s32 $0xFFFFFF80  }
0xe1: {  	_ =	swait.ge [sflag:s17], $0x80  }
0xe2: {  	[sflag:s17] =	ssyncset.done $0x0  }
0xe3: {  	[sflag:s17] =	ssyncadd.s32 $0xFFFFFF80  }
0xe4: {  	_ =	swait.ge [sflag:s17], $0x80  }
0xe5: {  	[sflag:s17] =	ssyncset.done $0x0  }
0xe6: {  	[sflag:s17] =	ssyncadd.s32 $0xFFFFFF80  }
0xe7: {  	_ =	swait.ge [sflag:s17], $0x80  }
0xe8: {  	[sflag:s17] =	ssyncset.done $0x0  }
0xe9: {  	[sflag:s17] =	ssyncadd.s32 $0xFFFFFF80  }
0xea: {  	_ =	swait.ge [sflag:s17], $0x80  }
0xeb: {  	[sflag:s17] =	ssyncset.done $0x0  }
0xec: {  	[sflag:s17] =	ssyncadd.s32 $0xFFFFFF80  }
0xed: {  	_ =	swait.ge [sflag:s17], $0x80  }
0xee: {  	[sflag:s17] =	ssyncset.done $0x0  }
0xef: {  	[sflag:s17] =	ssyncadd.s32 $0xFFFFFF80  }
0xf0: {  	_ =	swait.ge [sflag:s17], $0x80  }
0xf1: {  	[sflag:s17] =	ssyncset.done $0x0  }
0xf2: {  	[sflag:s17] =	ssyncadd.s32 $0xFFFFFF80  }
0xf3: {  	_ =	swait.ge [sflag:s17], $0x80  }
0xf4: {  	[sflag:s17] =	ssyncset.done $0x0  }
0xf5: {  	[sflag:s17] =	ssyncadd.s32 $0xFFFFFF80  }
0xf6: {  	_ =	swait.ge [sflag:s17], $0x80  }
0xf7: {  	[sflag:s17] =	ssyncset.done $0x0  }
0xf8: {  	[sflag:s17] =	ssyncadd.s32 $0xFFFFFF80  }
0xf9: {  	_ =	swait.ge [sflag:s17], $0x80  }
0xfa: {  	[sflag:s17] =	ssyncset.done $0x0  }
0xfb: {  	[sflag:s17] =	ssyncadd.s32 $0xFFFFFF80  }
0xfc: {  	_ =	swait.ge [sflag:s17], $0x80  }
0xfd: {  	[sflag:s17] =	ssyncset.done $0x0  }
0xfe: {  	[sflag:s17] =	ssyncadd.s32 $0xFFFFFF80  }
0xff: {  	_ =	swait.ge [sflag:s17], $0x80  }
0x100: {  	[sflag:s17] =	ssyncset.done $0x0  }
0x101: {  	[sflag:s17] =	ssyncadd.s32 $0xFFFFFF80  }
0x102: {  	_ =	swait.ge [sflag:s17], $0x80  }
0x103: {  	[sflag:s17] =	ssyncset.done $0x0  }
0x104: {  	[sflag:s17] =	ssyncadd.s32 $0xFFFFFF80  }
0x105: {  	_ =	swait.ge [sflag:s17], $0x80  }
0x106: {  	[sflag:s17] =	ssyncset.done $0x0  }
0x107: {  	[sflag:s17] =	ssyncadd.s32 $0xFFFFFF80  }
0x108: {  	_ =	swait.ge [sflag:s17], $0x80  }
0x109: {  	[sflag:s17] =	ssyncset.done $0x0  }
0x10a: {  	[sflag:s17] =	ssyncadd.s32 $0xFFFFFF80  }
0x10b: {  	_ =	swait.ge [sflag:s17], $0x80  }
0x10c: {  	[sflag:s17] =	ssyncset.done $0x0  }
0x10d: {  	[sflag:s17] =	ssyncadd.s32 $0xFFFFFF80  }
0x10e: {  	_ =	swait.ge [sflag:s17], $0x80  }
0x10f: {  	[sflag:s17] =	ssyncset.done $0x0  }
0x110: {  	[sflag:s17] =	ssyncadd.s32 $0xFFFFFF80  }
0x111: {  	_ =	swait.ge [sflag:s17], $0x80  }
0x112: {  	[sflag:s17] =	ssyncset.done $0x0  }
0x113: {  	[sflag:s17] =	ssyncadd.s32 $0xFFFFFF80  }
0x114: {  	_ =	swait.ge [sflag:s17], $0x80  }
0x115: {  	[sflag:s17] =	ssyncset.done $0x0  }
0x116: {  	s29 =	simm.s32 $0x0;
	[sflag:s17] =	ssyncadd.s32 $0xFFFFFF80  }
0x117: {  	v0 =	vld [tilespmem:s29+$0xA000]  }
0x118: {  	v1 =	vld [tilespmem:s29+$0xA080];
	_ =	sdelay $0x1  }
0x119: {  	v2 =	vld [tilespmem:s29+$0xA100];
	_ =	sdelay $0x1  }
0x11a: {  	v3 =	vld [tilespmem:s29+$0xA180]  }
0x11b: {  	v0 =	vadd.f32 v1, v0  }
0x11c: {  	v1 =	vld [tilespmem:s29+$0xA200]  }
0x11d: {  	v0 =	vadd.f32 v2, v0  }
0x11e: {  	v2 =	vld [tilespmem:s29+$0xA280]  }
0x11f: {  	v0 =	vadd.f32 v3, v0  }
0x120: {  	v3 =	vld [tilespmem:s29+$0xA300]  }
0x121: {  	v0 =	vadd.f32 v1, v0  }
0x122: {  	v1 =	vld [tilespmem:s29+$0xA380]  }
0x123: {  	v0 =	vadd.f32 v2, v0  }
0x124: {  	v2 =	vld [tilespmem:s29+$0xA400]  }
0x125: {  	v0 =	vadd.f32 v3, v0  }
0x126: {  	v3 =	vld [tilespmem:s29+$0xA480]  }
0x127: {  	v0 =	vadd.f32 v1, v0  }
0x128: {  	v1 =	vld [tilespmem:s29+$0xA500]  }
0x129: {  	v0 =	vadd.f32 v2, v0  }
0x12a: {  	v2 =	vld [tilespmem:s29+$0xA580]  }
0x12b: {  	v0 =	vadd.f32 v3, v0  }
0x12c: {  	v3 =	vld [tilespmem:s29+$0xA600]  }
0x12d: {  	s28 =	simm.s32 $0x10;
	v4 =	vld [tilespmem:s29+$0xA680];
	v0 =	vadd.f32 v1, v0  }
0x12e: {  	v5 =	vld [tilespmem:s28+$0xA000]  }
0x12f: {  	v1 =	vld [tilespmem:s29+$0xA700];
	v0 =	vadd.f32 v2, v0  }
0x130: {  	v2 =	vld [tilespmem:s28+$0xA080]  }
0x131: {  	v6 =	vld [tilespmem:s28+$0xA100];
	v0 =	vadd.f32 v3, v0  }
0x132: {  	v3 =	vld [tilespmem:s29+$0xA780]  }
0x133: {  	v7 =	vld [tilespmem:s28+$0xA180];
	v0 =	vadd.f32 v4, v0  }
0x134: {  	v4 =	vld [tilespmem:s29+$0xA800]  }
0x135: {  	v2 =	vadd.f32 v2, v5;
	v5 =	vld [tilespmem:s28+$0xA200];
	v0 =	vadd.f32 v1, v0  }
0x136: {  	v1 =	vld [tilespmem:s29+$0xA880]  }
0x137: {  	v2 =	vadd.f32 v6, v2;
	v6 =	vld [tilespmem:s28+$0xA280];
	v0 =	vadd.f32 v3, v0  }
0x138: {  	v3 =	vld [tilespmem:s29+$0xA900]  }
0x139: {  	v2 =	vadd.f32 v7, v2;
	v7 =	vld [tilespmem:s28+$0xA300];
	v0 =	vadd.f32 v4, v0  }
0x13a: {  	v4 =	vld [tilespmem:s29+$0xA980]  }
0x13b: {  	v2 =	vadd.f32 v5, v2;
	v5 =	vld [tilespmem:s28+$0xA380];
	v0 =	vadd.f32 v1, v0  }
0x13c: {  	v1 =	vld [tilespmem:s29+$0xAA00]  }
0x13d: {  	v2 =	vadd.f32 v6, v2;
	v6 =	vld [tilespmem:s28+$0xA400];
	v0 =	vadd.f32 v3, v0  }
0x13e: {  	v3 =	vld [tilespmem:s29+$0xAA80]  }
0x13f: {  	v2 =	vadd.f32 v7, v2;
	v7 =	vld [tilespmem:s28+$0xA480];
	v0 =	vadd.f32 v4, v0  }
0x140: {  	v4 =	vld [tilespmem:s29+$0xAB00]  }
0x141: {  	v2 =	vadd.f32 v5, v2;
	v5 =	vld [tilespmem:s28+$0xA500];
	v0 =	vadd.f32 v1, v0  }
0x142: {  	v1 =	vld [tilespmem:s29+$0xAB80]  }
0x143: {  	v8 =	vld [tilespmem:s28+$0xA580];
	v2 =	vadd.f32 v6, v2;
	v0 =	vadd.f32 v3, v0  }
0x144: {  	v6 =	vld [tilespmem:s29+$0xAC00]  }
0x145: {  	v3 =	vld [tilespmem:s28+$0xA600];
	v7 =	vadd.f32 v7, v2;
	v4 =	vadd.f32 v4, v0  }
0x146: {  	v2 =	vld [tilespmem:s29+$0xAC80]  }
0x147: {  	v0 =	vld [tilespmem:s28+$0xA700];
	v5 =	vadd.f32 v5, v7;
	v7 =	vadd.f32 v1, v4  }
0x148: {  	s30 =	simm.s32 $0x20;
	v4 =	vld [tilespmem:s28+$0xA680]  }
0x149: {  	s31 =	simm.s32 $0xC0;
	v1 =	vld [tilespmem:s30+$0xA000];
	v5 =	vadd.f32 v8, v5;
	v6 =	vadd.f32 v6, v7  }
.LBB2_4:
0x14a: {  	p0 =	sne.s32 s31, $0x1C0;
	v7 =	vld [tilespmem:s30+$0xA080]  }
0x14b: {  	v3 =	vadd.f32 v3, v5;
	v5 =	vld [tilespmem:s28+$0xA780];
	v2 =	vadd.f32 v2, v6  }
0x14c: {  	v6 =	vld [tilespmem:s30+$0xA100]  }
0x14d: {  	v3 =	vadd.f32 v4, v3;
	v4 =	vld [tilespmem:s28+$0xA800];
	[tilespmem:s29+$0xAD00] =	vst v2;
	s29 =	smov.u32 s28;
	s28 =	smov.u32 s30  }
0x14e: {  	v2 =	vld [tilespmem:s28+$0xA180]  }
0x14f: {  	v1 =	vadd.f32 v7, v1;
	v0 =	vadd.f32 v0, v3;
	v3 =	vld [tilespmem:s29+$0xA880]  }
0x150: {  	v7 =	vld [tilespmem:s28+$0xA200]  }
0x151: {  	v1 =	vadd.f32 v6, v1;
	v0 =	vadd.f32 v5, v0;
	v5 =	vld [tilespmem:s29+$0xA900]  }
0x152: {  	v6 =	vld [tilespmem:s28+$0xA280]  }
0x153: {  	v1 =	vadd.f32 v2, v1;
	v0 =	vadd.f32 v4, v0;
	v2 =	vld [tilespmem:s29+$0xA980]  }
0x154: {  	v4 =	vld [tilespmem:s28+$0xA300]  }
0x155: {  	v1 =	vadd.f32 v7, v1;
	v0 =	vadd.f32 v3, v0;
	v3 =	vld [tilespmem:s29+$0xAA00]  }
0x156: {  	v7 =	vld [tilespmem:s28+$0xA380]  }
0x157: {  	v1 =	vadd.f32 v6, v1;
	v0 =	vadd.f32 v5, v0;
	v5 =	vld [tilespmem:s29+$0xAA80]  }
0x158: {  	v6 =	vld [tilespmem:s28+$0xA400]  }
0x159: {  	v1 =	vadd.f32 v4, v1;
	v0 =	vadd.f32 v2, v0;
	v2 =	vld [tilespmem:s29+$0xAB00]  }
0x15a: {  	v4 =	vld [tilespmem:s28+$0xA480]  }
0x15b: {  	v1 =	vadd.f32 v7, v1;
	v0 =	vadd.f32 v3, v0;
	v7 =	vld [tilespmem:s29+$0xAB80]  }
0x15c: {  	v8 =	vld [tilespmem:s28+$0xA500]  }
0x15d: {  	v1 =	vadd.f32 v6, v1;
	v0 =	vadd.f32 v5, v0;
	v6 =	vld [tilespmem:s29+$0xAC00]  }
0x15e: {  	v5 =	vld [tilespmem:s28+$0xA580]  }
.Ltmp1:
0x15f: {  	v1 =	vadd.f32 v4, v1;
	v4 =	vadd.f32 v2, v0;
	v2 =	vld [tilespmem:s29+$0xAC80];
	(pc) =	sbr.rel @p0 .LBB2_4-.Ltmp1, $4  }
0x160: {  	v3 =	vld [tilespmem:s28+$0xA600]  }
0x161: {  	v8 =	vadd.f32 v8, v1;
	v0 =	vld [tilespmem:s28+$0xA700];
	v7 =	vadd.f32 v7, v4  }
0x162: {  	s30 =	sshra.s32 s31, $0x2;
	v4 =	vld [tilespmem:s28+$0xA680]  }
0x163: {  	s31 =	sadd.s32 $0x40, s31;
	v1 =	vld [tilespmem:s30+$0xA000];
	v5 =	vadd.f32 v5, v8;
	v6 =	vadd.f32 v6, v7  }
0x164: {  	v7 =	vld [tilespmem:s30+$0xA080]  }
0x165: {  	v8 =	vld [tilespmem:s28+$0xA780];
	v2 =	vadd.f32 v2, v6  }
0x166: {  	v31 =	vld [tilespmem:s30+$0xA100]  }
0x167: {  	v9 =	vld [tilespmem:s28+$0xA800];
	v3 =	vadd.f32 v3, v5;
	[tilespmem:s29+$0xAD00] =	vst v2  }
0x168: {  	v2 =	vld [tilespmem:s30+$0xA180]  }
0x169: {  	v3 =	vadd.f32 v4, v3;
	v1 =	vadd.f32 v7, v1  }
0x16a: {  	v32 =	vld [tilespmem:s30+$0xA200]  }
0x16b: {  	v33 =	vld [tilespmem:s28+$0xA880];
	v0 =	vadd.f32 v0, v3;
	v1 =	vadd.f32 v31, v1  }
0x16c: {  	v34 =	vld [tilespmem:s30+$0xA280]  }
0x16d: {  	v35 =	vld [tilespmem:s28+$0xA900];
	v0 =	vadd.f32 v8, v0;
	v1 =	vadd.f32 v2, v1  }
0x16e: {  	v36 =	vld [tilespmem:s30+$0xA300]  }
0x16f: {  	v37 =	vld [tilespmem:s28+$0xA980];
	v0 =	vadd.f32 v9, v0;
	v1 =	vadd.f32 v32, v1  }
0x170: {  	v38 =	vld [tilespmem:s30+$0xA380]  }
0x171: {  	v39 =	vld [tilespmem:s28+$0xAA00];
	v0 =	vadd.f32 v33, v0;
	v1 =	vadd.f32 v34, v1  }
0x172: {  	v40 =	vld [tilespmem:s30+$0xA400]  }
0x173: {  	v41 =	vld [tilespmem:s28+$0xAA80];
	v0 =	vadd.f32 v35, v0;
	v1 =	vadd.f32 v36, v1  }
0x174: {  	v42 =	vld [tilespmem:s30+$0xA480]  }
0x175: {  	v43 =	vld [tilespmem:s28+$0xAB00];
	v0 =	vadd.f32 v37, v0;
	v1 =	vadd.f32 v38, v1  }
0x176: {  	v44 =	vld [tilespmem:s30+$0xA500]  }
0x177: {  	v45 =	vld [tilespmem:s28+$0xAB80];
	v0 =	vadd.f32 v39, v0;
	v1 =	vadd.f32 v40, v1  }
0x178: {  	v46 =	vld [tilespmem:s30+$0xA580]  }
0x179: {  	v47 =	vld [tilespmem:s28+$0xAC00];
	v0 =	vadd.f32 v41, v0;
	v1 =	vadd.f32 v42, v1  }
0x17a: {  	v48 =	vld [tilespmem:s30+$0xA600]  }
0x17b: {  	v49 =	vld [tilespmem:s28+$0xAC80];
	v0 =	vadd.f32 v43, v0;
	v1 =	vadd.f32 v44, v1  }
0x17c: {  	v50 =	vld [tilespmem:s30+$0xA680]  }
0x17d: {  	v0 =	vadd.f32 v45, v0;
	v1 =	vadd.f32 v46, v1  }
0x17e: {  	v51 =	vld [tilespmem:s30+$0xA700]  }
0x17f: {  	v0 =	vadd.f32 v47, v0;
	v1 =	vadd.f32 v48, v1  }
0x180: {  	v52 =	vld [tilespmem:s30+$0xA780]  }
0x181: {  	v0 =	vadd.f32 v49, v0;
	v1 =	vadd.f32 v50, v1  }
0x182: {  	v53 =	vld [tilespmem:s30+$0xA800]  }
0x183: {  	[tilespmem:s28+$0xAD00] =	vst v0;
	v54 =	vadd.f32 v51, v1  }
0x184: {  	v55 =	vld [tilespmem:s30+$0xA880]  }
0x185: {  	v0 =	vadd.f32 v52, v54  }
0x186: {  	v56 =	vld [tilespmem:s30+$0xA900]  }
0x187: {  	v0 =	vadd.f32 v53, v0  }
0x188: {  	v57 =	vld [tilespmem:s30+$0xA980]  }
0x189: {  	v0 =	vadd.f32 v55, v0  }
0x18a: {  	v58 =	vld [tilespmem:s30+$0xAA00]  }
0x18b: {  	v0 =	vadd.f32 v56, v0  }
0x18c: {  	v59 =	vld [tilespmem:s30+$0xAA80]  }
0x18d: {  	v0 =	vadd.f32 v57, v0  }
0x18e: {  	v60 =	vld [tilespmem:s30+$0xAB00]  }
0x18f: {  	v0 =	vadd.f32 v58, v0  }
0x190: {  	v61 =	vld [tilespmem:s30+$0xAB80]  }
0x191: {  	v0 =	vadd.f32 v59, v0  }
0x192: {  	v62 =	vld [tilespmem:s30+$0xAC00]  }
0x193: {  	v0 =	vadd.f32 v60, v0  }
0x194: {  	v63 =	vld [tilespmem:s30+$0xAC80]  }
0x195: {  	v0 =	vadd.f32 v61, v0;
	_ =	sdelay $0x1  }
0x196: {  	v0 =	vadd.f32 v62, v0;
	_ =	sdelay $0x1  }
0x197: {  	s26 =	sadd.s32 $0x1, s26;
	v0 =	vadd.f32 v63, v0  }
0x198: {  	p0 =	sne.s32 s26, s11  }
.Ltmp2:
0x199: {  	[tilespmem:s30+$0xAD00] =	vst v0;
	(pc) =	sbr.rel @p0 .LBB2_1-.Ltmp2, $4  }
0x19a: {  	[hbm4b:s10+s3] =	stream.linear.scatter [tilespmem:s25], [sflag:$0x3], $0x80, $0x38;
	[tilespmem:$0xAD80] =	vst v63  }
0x19b: {  	_ =	swait.ge [sflag:s19], $0x80  }
0x19c: {  	[sflag:s19] =	ssyncset.done $0x0  }
0x19d: {  	[sflag:s19] =	ssyncadd.s32 $0xFFFFFF80  }
0x19e: {  	_ =	sfence.sel $0x180000  }
0x19f: {  	[bflag:$0x0] =	sbarrier.arrive $0xFFFF  }
0x1a0: {  	_ =	strace $0x90000047  }
0x1a1: {  	s0 =	stileid.u32;
	[bflag:$0x2] =	sbarrier.arrive $0xFFFF  }
0x1a2: {  	p0 =	sne.s32 s0, $0x0;
	s0 =	rddreg [dreg:$0x3]  }
0x1a3: {  	s0 =	sadd.s32 @!p0 $0x100000, s0  }
0x1a4: {  	[sflag:s0] =	ssyncadd.tile.s32 @!p0 $0x1;
	_ =	shalt  }
.Lfunc_end2:
_tile_overlayer_lowered:
.L_overlay_start_2:
0x1a5: {  	(tag) =	ssettag $0x2  }
0x1a6: {  	s0 =	rddreg [dreg:$0x0];
	s2 =	stileid.u32  }
0x1a7: {  	s1 =	rddreg [dreg:$0x1];
	p0 =	sne.s32 s2, $0x0  }
0x1a8: {  	s3 =	rddreg [dreg:$0x2];
	[bflag:$0x3] =	sbarrier.arrive $0xFFFF;
	s2 =	simm.s32 @!p0 $0x1C03  }
0x1a9: {  	[timem:s3], [sflag:s2] =	dma.local @!p0 [hbm:s0], s1  }
0x1aa: {  	s0 =	simm.s32 @!p0 $0x3  }
0x1ab: {  	_ =	swait.ge @!p0 [sflag:s0], s1  }
0x1ac: {  	s1 =	ssub.s32 @!p0 $0x0, s1;
	[sflag:s0] =	ssyncset.done @!p0 $0x0  }
0x1ad: {  	[sflag:s0] =	ssyncadd.s32 @!p0 s1  }
0x1ae: {  	[bflag:$0x3] =	sbarrier.arrive $0xFFFF  }
0x1af: {  	_ =	shalt  }

</sc_bundles>
